<compile_context>
chip_gen: v7x
topology: tpu7x:2x2x1
jax: 0.10.2.dev20260603
libtpu: 0.0.44.dev20260713+nightly
codegen_flags: <defaults>
</compile_context>

<pallas_src>
import functools

import jax
import jax.numpy as jnp
from jax import lax
from jax.experimental import pallas as pl
from jax.experimental.pallas import tpu as pltpu
from jax.experimental.pallas import tpu_sc as plsc

NUM_CORES = 2
NUM_SUBCORES = 16
NUM_WORKERS = NUM_CORES * NUM_SUBCORES
NBUF = 4
CHUNK = 40


@functools.partial(jax.jit, static_argnames=("n_per_w", "n_chunks", "dim"))
def _gather_call(idx_flat, table, *, n_per_w, n_chunks, dim):
    n_total = idx_flat.shape[0]
    mesh = plsc.VectorSubcoreMesh(core_axis_name="c", subcore_axis_name="s")

    @functools.partial(
        pl.kernel,
        out_type=jax.ShapeDtypeStruct((n_total, dim), jnp.float32),
        mesh=mesh,
        scratch_types=[
            pltpu.VMEM((n_per_w,), jnp.int32),
            pltpu.VMEM((NBUF, CHUNK, dim), jnp.float32),
            [pltpu.SemaphoreType.DMA] * NBUF,
            [pltpu.SemaphoreType.DMA] * NBUF,
        ],
    )
    def gather_kernel(idx_hbm, table_hbm, out_hbm, idx_v, rows_v, gsems, wsems):
        wid = lax.axis_index("s") * NUM_CORES + lax.axis_index("c")
        base = wid * n_per_w
        pltpu.sync_copy(idx_hbm.at[pl.ds(base, n_per_w)], idx_v)

        bufs = tuple(rows_v.at[b] for b in range(NBUF))

        def start_gather(c, b):
            pltpu.async_copy(
                table_hbm.at[idx_v.at[pl.ds(c * CHUNK, CHUNK)]],
                bufs[b],
                gsems[b],
            )

        def wait_gather(b):
            pltpu.make_async_copy(
                table_hbm.at[pl.ds(0, CHUNK)], bufs[b], gsems[b]
            ).wait()

        def start_write(c, b):
            pltpu.async_copy(
                bufs[b], out_hbm.at[pl.ds(base + c * CHUNK, CHUNK)], wsems[b]
            )

        def wait_write(b):
            pltpu.make_async_copy(
                bufs[b], out_hbm.at[pl.ds(0, CHUNK)], wsems[b]
            ).wait()

        start_gather(0, 0)
        start_gather(1, 1)

        def body(i, carry):
            c0 = i * NBUF
            for b in range(NBUF):
                c = c0 + b
                nb = (b + 2) % NBUF

                @pl.when(c >= 2)
                def _():
                    wait_write(nb)

                @pl.when(c + 2 < n_chunks)
                def _():
                    start_gather(c + 2, nb)

                wait_gather(b)
                start_write(c, b)
            return carry

        lax.fori_loop(0, n_chunks // NBUF, body, 0)
        wait_write((n_chunks - 2) % NBUF)
        wait_write((n_chunks - 1) % NBUF)

    return gather_kernel(idx_flat, table)


def kernel(x, table):
    b, l = x.shape
    _, dim = table.shape
    n_total = b * l
    n_per_w = n_total // NUM_WORKERS
    n_chunks = n_per_w // CHUNK
    idx_flat = x.reshape(n_total)
    out = _gather_call(idx_flat, table, n_per_w=n_per_w, n_chunks=n_chunks, dim=dim)
    return out.reshape(b, l, dim)

# --- scband reference (transcript-rebuilt; emitter-appended) ---
"""Pipeline reference for scband-word2-vec-train-19610820673539 (READ-ONLY COPY).

The authoritative reference and input builder live on the scoring server;
editing this copy changes nothing except your own understanding.
"""

import jax, jax.numpy as jnp
import numpy as np

VOCAB = 100000
DIM = 768
B = 4096
L = 20

def setup_inputs(seed: int = 0) -> dict:
    key = jax.random.key(seed)
    k1, k2 = jax.random.split(key)
    x = jax.random.randint(k1, (B, L), 0, VOCAB, dtype=jnp.int32)
    # learned parameter: word2vec embedding table (vocab x embedding_size)
    table = jax.random.normal(k2, (VOCAB, DIM), dtype=jnp.float32) * 0.02
    return {"x": x, "table": table}

def reference(x, table):
    # forward: self.word2vec[x] -> embedding row gather
    return jnp.take(table, x, axis=0)

if __name__ == "__main__":
    import jax
    _d = setup_inputs()
    print(jax.jit(kernel)(*tuple(_d.values())))

</pallas_src>

<mosaic_0001>
#map = affine_map<(d0, d1) -> (0)>
#map1 = affine_map<(d0, d1) -> (0, 0)>
module attributes {stable_mosaic.version = 14 : i64} {
  func.func @gather_kernel(%arg0: i32, %arg1: i32, %arg2: memref<81920xi32, #tpu.memory_space<hbm>>, %arg3: memref<100000x768xf32, #tpu.memory_space<hbm>>, %arg4: memref<81920x768xf32, #tpu.memory_space<hbm>>, %arg5: memref<2560xi32, #tpu.memory_space<vmem>>, %arg6: memref<4x40x768xf32, #tpu.memory_space<vmem>>, %arg7: memref<!tpu.dma_semaphore, #tpu.memory_space<semaphore_mem>>, %arg8: memref<!tpu.dma_semaphore, #tpu.memory_space<semaphore_mem>>, %arg9: memref<!tpu.dma_semaphore, #tpu.memory_space<semaphore_mem>>, %arg10: memref<!tpu.dma_semaphore, #tpu.memory_space<semaphore_mem>>, %arg11: memref<!tpu.dma_semaphore, #tpu.memory_space<semaphore_mem>>, %arg12: memref<!tpu.dma_semaphore, #tpu.memory_space<semaphore_mem>>, %arg13: memref<!tpu.dma_semaphore, #tpu.memory_space<semaphore_mem>>, %arg14: memref<!tpu.dma_semaphore, #tpu.memory_space<semaphore_mem>>) attributes {dimension_semantics = [#tpu.dimension_semantics<core_parallel>, #tpu.dimension_semantics<subcore_parallel>], iteration_bounds = array<i64: 2, 16>, scalar_prefetch = 0 : i64, scratch_operands = 10 : i64, tpu.core_type = #tpu.core_type<sc_vector_subcore>, window_params = [{transform_indices = #map}, {transform_indices = #map1}, {transform_indices = #map1}]} {
    %mul3A = arith.constant 2 : i32
    %mul3A_0 = arith.muli %arg1, %mul3A : i32
    %add3A = arith.addi %mul3A_0, %arg0 : i32
    %mul3A_1 = arith.constant 2560 : i32
    %mul3A_2 = arith.muli %add3A, %mul3A_1 : i32
    "tpu.region"() ({
      %run_scoped3A = tpu.sem_alloc : memref<!tpu.dma_semaphore, #tpu.memory_space<semaphore_mem>>
      %dma_start3A_60 = tpu.memref_slice %arg2[%mul3A_2] : memref<81920xi32, #tpu.memory_space<hbm>> -> memref<2560xi32, #tpu.memory_space<hbm>>
      %dma_start3A_61 = tpu.memref_slice %arg2[%mul3A_2] : memref<81920xi32, #tpu.memory_space<hbm>> -> memref<2560xi32, #tpu.memory_space<hbm>>
      tpu.enqueue_dma source(%dma_start3A_61 : memref<2560xi32, #tpu.memory_space<hbm>>) target(%arg5 : memref<2560xi32, #tpu.memory_space<vmem>>) target_semaphore(%run_scoped3A : memref<!tpu.dma_semaphore, #tpu.memory_space<semaphore_mem>>)
      %dma_wait3A_62 = tpu.memref_slice %arg2[%mul3A_2] : memref<81920xi32, #tpu.memory_space<hbm>> -> memref<2560xi32, #tpu.memory_space<hbm>>
      %dma_wait3A_63 = tpu.memref_slice %arg2[%mul3A_2] : memref<81920xi32, #tpu.memory_space<hbm>> -> memref<2560xi32, #tpu.memory_space<hbm>>
      tpu.wait_dma2 semaphore(%run_scoped3A : memref<!tpu.dma_semaphore, #tpu.memory_space<semaphore_mem>>) src(%dma_wait3A_63 : memref<2560xi32, #tpu.memory_space<hbm>>) dst(%arg5 : memref<2560xi32, #tpu.memory_space<vmem>>)
      tpu.yield
    }) : () -> ()
    %dma_start3A = arith.constant 0 : i32
    %dma_start3A_3 = arith.constant 0 : i32
    %dma_start3A_4 = arith.constant 0 : i32
    %dma_start3A_5 = tpu.memref_slice %arg6[%dma_start3A, %dma_start3A_3, %dma_start3A_4] : memref<4x40x768xf32, #tpu.memory_space<vmem>> -> memref<1x40x768xf32, #tpu.memory_space<vmem>>
    %dma_start3A_6 = tpu.memref_squeeze %dma_start3A_5 : memref<1x40x768xf32, #tpu.memory_space<vmem>> -> memref<40x768xf32, #tpu.memory_space<vmem>>
    %dma_start3A_7 = arith.constant 0 : i32
    %dma_start3A_8 = tpu.memref_slice %arg5[%dma_start3A_7] : memref<2560xi32, #tpu.memory_space<vmem>> -> memref<40xi32, #tpu.memory_space<vmem>>
    %dma_start3A_9 = arith.constant 0 : i32
    %dma_start3A_10 = arith.constant 0 : i32
    %dma_start3A_11 = tpu.memref_slice %arg3[%dma_start3A_9, %dma_start3A_10] : memref<100000x768xf32, #tpu.memory_space<hbm>> -> memref<100000x768xf32, #tpu.memory_space<hbm>>
    tpu.enqueue_indirect_dma source(%dma_start3A_11 : memref<100000x768xf32, #tpu.memory_space<hbm>>) target(%dma_start3A_6 : memref<40x768xf32, #tpu.memory_space<vmem>>) offsets(%dma_start3A_8 : memref<40xi32, #tpu.memory_space<vmem>>) semaphore(%arg7 : memref<!tpu.dma_semaphore, #tpu.memory_space<semaphore_mem>>)
    %dma_start3A_12 = arith.constant 1 : i32
    %dma_start3A_13 = arith.constant 0 : i32
    %dma_start3A_14 = arith.constant 0 : i32
    %dma_start3A_15 = tpu.memref_slice %arg6[%dma_start3A_12, %dma_start3A_13, %dma_start3A_14] : memref<4x40x768xf32, #tpu.memory_space<vmem>> -> memref<1x40x768xf32, #tpu.memory_space<vmem>>
    %dma_start3A_16 = tpu.memref_squeeze %dma_start3A_15 : memref<1x40x768xf32, #tpu.memory_space<vmem>> -> memref<40x768xf32, #tpu.memory_space<vmem>>
    %dma_start3A_17 = arith.constant 40 : i32
    %dma_start3A_18 = tpu.memref_slice %arg5[%dma_start3A_17] : memref<2560xi32, #tpu.memory_space<vmem>> -> memref<40xi32, #tpu.memory_space<vmem>>
    %dma_start3A_19 = arith.constant 0 : i32
    %dma_start3A_20 = arith.constant 0 : i32
    %dma_start3A_21 = tpu.memref_slice %arg3[%dma_start3A_19, %dma_start3A_20] : memref<100000x768xf32, #tpu.memory_space<hbm>> -> memref<100000x768xf32, #tpu.memory_space<hbm>>
    tpu.enqueue_indirect_dma source(%dma_start3A_21 : memref<100000x768xf32, #tpu.memory_space<hbm>>) target(%dma_start3A_16 : memref<40x768xf32, #tpu.memory_space<vmem>>) offsets(%dma_start3A_18 : memref<40xi32, #tpu.memory_space<vmem>>) semaphore(%arg8 : memref<!tpu.dma_semaphore, #tpu.memory_space<semaphore_mem>>)
    %scan3A = arith.constant 0 : i32
    %scan3A_22 = arith.constant 2 : i32
    %scan3A_23 = arith.constant 0 : i32
    %scan3A_24 = arith.constant 3 : i32
    %scan3A_25 = arith.constant 1 : i32
    %scan3A_26 = arith.constant 0 : i32
    %scan3A_27 = arith.constant 16 : i32
    %scan3A_28 = arith.addi %scan3A_26, %scan3A_27 : i32
    %scan3A_29 = arith.constant 1 : i32
    scf.for %scan3A_60 = %scan3A_26 to %scan3A_28 step %scan3A_29  : i32 {
      %mul3A_61 = arith.constant 4 : i32
      %mul3A_62 = arith.muli %scan3A_60, %mul3A_61 : i32
      %add3A_63 = arith.constant 0 : i32
      %add3A_64 = arith.addi %mul3A_62, %add3A_63 : i32
      %ge3A = arith.constant 2 : i32
      %ge3A_65 = arith.cmpi sge, %add3A_64, %ge3A : i32
      %convert_element_type3A = arith.extui %ge3A_65 : i1 to i32
      %cond3A = arith.constant 0 : i32
      %cond3A_66 = arith.cmpi ne, %convert_element_type3A, %cond3A : i32
      scf.if %cond3A_66 {
        %dma_wait3A_231 = arith.constant 0 : i32
        %dma_wait3A_232 = arith.constant 0 : i32
        %dma_wait3A_233 = tpu.memref_slice %arg6[%scan3A_22, %dma_wait3A_231, %dma_wait3A_232] : memref<4x40x768xf32, #tpu.memory_space<vmem>> -> memref<1x40x768xf32, #tpu.memory_space<vmem>>
        %dma_wait3A_234 = tpu.memref_squeeze %dma_wait3A_233 : memref<1x40x768xf32, #tpu.memory_space<vmem>> -> memref<40x768xf32, #tpu.memory_space<vmem>>
        %dma_wait3A_235 = arith.constant 0 : i32
        %dma_wait3A_236 = arith.constant 0 : i32
        %dma_wait3A_237 = tpu.memref_slice %arg4[%dma_wait3A_235, %dma_wait3A_236] : memref<81920x768xf32, #tpu.memory_space<hbm>> -> memref<40x768xf32, #tpu.memory_space<hbm>>
        %dma_wait3A_238 = arith.constant 0 : i32
        %dma_wait3A_239 = arith.constant 0 : i32
        %dma_wait3A_240 = tpu.memref_slice %arg4[%dma_wait3A_238, %dma_wait3A_239] : memref<81920x768xf32, #tpu.memory_space<hbm>> -> memref<40x768xf32, #tpu.memory_space<hbm>>
        %dma_wait3A_241 = arith.constant 0 : i32
        %dma_wait3A_242 = arith.constant 0 : i32
        %dma_wait3A_243 = tpu.memref_slice %arg6[%scan3A_22, %dma_wait3A_241, %dma_wait3A_242] : memref<4x40x768xf32, #tpu.memory_space<vmem>> -> memref<1x40x768xf32, #tpu.memory_space<vmem>>
        %dma_wait3A_244 = tpu.memref_squeeze %dma_wait3A_243 : memref<1x40x768xf32, #tpu.memory_space<vmem>> -> memref<40x768xf32, #tpu.memory_space<vmem>>
        tpu.wait_dma2 semaphore(%arg13 : memref<!tpu.dma_semaphore, #tpu.memory_space<semaphore_mem>>) src(%dma_wait3A_244 : memref<40x768xf32, #tpu.memory_space<vmem>>) dst(%dma_wait3A_240 : memref<40x768xf32, #tpu.memory_space<hbm>>)
      } else {
      }
      %add3A_67 = arith.constant 2 : i32
      %add3A_68 = arith.addi %add3A_64, %add3A_67 : i32
      %lt3A = arith.constant 64 : i32
      %lt3A_69 = arith.cmpi slt, %add3A_68, %lt3A : i32
      %convert_element_type3A_70 = arith.extui %lt3A_69 : i1 to i32
      %cond3A_71 = arith.constant 0 : i32
      %cond3A_72 = arith.cmpi ne, %convert_element_type3A_70, %cond3A_71 : i32
      scf.if %cond3A_72 {
        %add3A_231 = arith.constant 2 : i32
        %add3A_232 = arith.addi %add3A_64, %add3A_231 : i32
        %mul3A_233 = arith.constant 40 : i32
        %mul3A_234 = arith.muli %add3A_232, %mul3A_233 : i32
        %dma_start3A_235 = arith.constant 0 : i32
        %dma_start3A_236 = arith.constant 0 : i32
        %dma_start3A_237 = tpu.memref_slice %arg6[%scan3A_22, %dma_start3A_235, %dma_start3A_236] : memref<4x40x768xf32, #tpu.memory_space<vmem>> -> memref<1x40x768xf32, #tpu.memory_space<vmem>>
        %dma_start3A_238 = tpu.memref_squeeze %dma_start3A_237 : memref<1x40x768xf32, #tpu.memory_space<vmem>> -> memref<40x768xf32, #tpu.memory_space<vmem>>
        %dma_start3A_239 = tpu.memref_slice %arg5[%mul3A_234] : memref<2560xi32, #tpu.memory_space<vmem>> -> memref<40xi32, #tpu.memory_space<vmem>>
        %dma_start3A_240 = arith.constant 0 : i32
        %dma_start3A_241 = arith.constant 0 : i32
        %dma_start3A_242 = tpu.memref_slice %arg3[%dma_start3A_240, %dma_start3A_241] : memref<100000x768xf32, #tpu.memory_space<hbm>> -> memref<100000x768xf32, #tpu.memory_space<hbm>>
        tpu.enqueue_indirect_dma source(%dma_start3A_242 : memref<100000x768xf32, #tpu.memory_space<hbm>>) target(%dma_start3A_238 : memref<40x768xf32, #tpu.memory_space<vmem>>) offsets(%dma_start3A_239 : memref<40xi32, #tpu.memory_space<vmem>>) semaphore(%arg9 : memref<!tpu.dma_semaphore, #tpu.memory_space<semaphore_mem>>)
      } else {
      }
      %dma_wait3A_73 = arith.constant 0 : i32
      %dma_wait3A_74 = arith.constant 0 : i32
      %dma_wait3A_75 = tpu.memref_slice %arg6[%scan3A_23, %dma_wait3A_73, %dma_wait3A_74] : memref<4x40x768xf32, #tpu.memory_space<vmem>> -> memref<1x40x768xf32, #tpu.memory_space<vmem>>
      %dma_wait3A_76 = tpu.memref_squeeze %dma_wait3A_75 : memref<1x40x768xf32, #tpu.memory_space<vmem>> -> memref<40x768xf32, #tpu.memory_space<vmem>>
      %dma_wait3A_77 = arith.constant 0 : i32
      %dma_wait3A_78 = arith.constant 0 : i32
      %dma_wait3A_79 = tpu.memref_slice %arg3[%dma_wait3A_77, %dma_wait3A_78] : memref<100000x768xf32, #tpu.memory_space<hbm>> -> memref<40x768xf32, #tpu.memory_space<hbm>>
      %dma_wait3A_80 = arith.constant 0 : i32
      %dma_wait3A_81 = arith.constant 0 : i32
      %dma_wait3A_82 = tpu.memref_slice %arg6[%scan3A_23, %dma_wait3A_80, %dma_wait3A_81] : memref<4x40x768xf32, #tpu.memory_space<vmem>> -> memref<1x40x768xf32, #tpu.memory_space<vmem>>
      %dma_wait3A_83 = tpu.memref_squeeze %dma_wait3A_82 : memref<1x40x768xf32, #tpu.memory_space<vmem>> -> memref<40x768xf32, #tpu.memory_space<vmem>>
      %dma_wait3A_84 = arith.constant 0 : i32
      %dma_wait3A_85 = arith.constant 0 : i32
      %dma_wait3A_86 = tpu.memref_slice %arg3[%dma_wait3A_84, %dma_wait3A_85] : memref<100000x768xf32, #tpu.memory_space<hbm>> -> memref<40x768xf32, #tpu.memory_space<hbm>>
      tpu.wait_dma2 semaphore(%arg7 : memref<!tpu.dma_semaphore, #tpu.memory_space<semaphore_mem>>) src(%dma_wait3A_86 : memref<40x768xf32, #tpu.memory_space<hbm>>) dst(%dma_wait3A_83 : memref<40x768xf32, #tpu.memory_space<vmem>>)
      %mul3A_87 = arith.constant 40 : i32
      %mul3A_88 = arith.muli %add3A_64, %mul3A_87 : i32
      %add3A_89 = arith.addi %mul3A_2, %mul3A_88 : i32
      %dma_start3A_90 = arith.constant 0 : i32
      %dma_start3A_91 = arith.constant 0 : i32
      %dma_start3A_92 = tpu.memref_slice %arg6[%scan3A_23, %dma_start3A_90, %dma_start3A_91] : memref<4x40x768xf32, #tpu.memory_space<vmem>> -> memref<1x40x768xf32, #tpu.memory_space<vmem>>
      %dma_start3A_93 = tpu.memref_squeeze %dma_start3A_92 : memref<1x40x768xf32, #tpu.memory_space<vmem>> -> memref<40x768xf32, #tpu.memory_space<vmem>>
      %dma_start3A_94 = arith.constant 0 : i32
      %dma_start3A_95 = tpu.memref_slice %arg4[%add3A_89, %dma_start3A_94] : memref<81920x768xf32, #tpu.memory_space<hbm>> -> memref<40x768xf32, #tpu.memory_space<hbm>>
      %dma_start3A_96 = arith.constant 0 : i32
      %dma_start3A_97 = tpu.memref_slice %arg4[%add3A_89, %dma_start3A_96] : memref<81920x768xf32, #tpu.memory_space<hbm>> -> memref<40x768xf32, #tpu.memory_space<hbm>>
      %dma_start3A_98 = arith.constant 0 : i32
      %dma_start3A_99 = arith.constant 0 : i32
      %dma_start3A_100 = tpu.memref_slice %arg6[%scan3A_23, %dma_start3A_98, %dma_start3A_99] : memref<4x40x768xf32, #tpu.memory_space<vmem>> -> memref<1x40x768xf32, #tpu.memory_space<vmem>>
      %dma_start3A_101 = tpu.memref_squeeze %dma_start3A_100 : memref<1x40x768xf32, #tpu.memory_space<vmem>> -> memref<40x768xf32, #tpu.memory_space<vmem>>
      tpu.enqueue_dma source(%dma_start3A_101 : memref<40x768xf32, #tpu.memory_space<vmem>>) target(%dma_start3A_97 : memref<40x768xf32, #tpu.memory_space<hbm>>) target_semaphore(%arg11 : memref<!tpu.dma_semaphore, #tpu.memory_space<semaphore_mem>>)
      %add3A_102 = arith.constant 1 : i32
      %add3A_103 = arith.addi %mul3A_62, %add3A_102 : i32
      %ge3A_104 = arith.constant 2 : i32
      %ge3A_105 = arith.cmpi sge, %add3A_103, %ge3A_104 : i32
      %convert_element_type3A_106 = arith.extui %ge3A_105 : i1 to i32
      %cond3A_107 = arith.constant 0 : i32
      %cond3A_108 = arith.cmpi ne, %convert_element_type3A_106, %cond3A_107 : i32
      scf.if %cond3A_108 {
        %dma_wait3A_231 = arith.constant 0 : i32
        %dma_wait3A_232 = arith.constant 0 : i32
        %dma_wait3A_233 = tpu.memref_slice %arg6[%scan3A_24, %dma_wait3A_231, %dma_wait3A_232] : memref<4x40x768xf32, #tpu.memory_space<vmem>> -> memref<1x40x768xf32, #tpu.memory_space<vmem>>
        %dma_wait3A_234 = tpu.memref_squeeze %dma_wait3A_233 : memref<1x40x768xf32, #tpu.memory_space<vmem>> -> memref<40x768xf32, #tpu.memory_space<vmem>>
        %dma_wait3A_235 = arith.constant 0 : i32
        %dma_wait3A_236 = arith.constant 0 : i32
        %dma_wait3A_237 = tpu.memref_slice %arg4[%dma_wait3A_235, %dma_wait3A_236] : memref<81920x768xf32, #tpu.memory_space<hbm>> -> memref<40x768xf32, #tpu.memory_space<hbm>>
        %dma_wait3A_238 = arith.constant 0 : i32
        %dma_wait3A_239 = arith.constant 0 : i32
        %dma_wait3A_240 = tpu.memref_slice %arg4[%dma_wait3A_238, %dma_wait3A_239] : memref<81920x768xf32, #tpu.memory_space<hbm>> -> memref<40x768xf32, #tpu.memory_space<hbm>>
        %dma_wait3A_241 = arith.constant 0 : i32
        %dma_wait3A_242 = arith.constant 0 : i32
        %dma_wait3A_243 = tpu.memref_slice %arg6[%scan3A_24, %dma_wait3A_241, %dma_wait3A_242] : memref<4x40x768xf32, #tpu.memory_space<vmem>> -> memref<1x40x768xf32, #tpu.memory_space<vmem>>
        %dma_wait3A_244 = tpu.memref_squeeze %dma_wait3A_243 : memref<1x40x768xf32, #tpu.memory_space<vmem>> -> memref<40x768xf32, #tpu.memory_space<vmem>>
        tpu.wait_dma2 semaphore(%arg14 : memref<!tpu.dma_semaphore, #tpu.memory_space<semaphore_mem>>) src(%dma_wait3A_244 : memref<40x768xf32, #tpu.memory_space<vmem>>) dst(%dma_wait3A_240 : memref<40x768xf32, #tpu.memory_space<hbm>>)
      } else {
      }
      %add3A_109 = arith.constant 2 : i32
      %add3A_110 = arith.addi %add3A_103, %add3A_109 : i32
      %lt3A_111 = arith.constant 64 : i32
      %lt3A_112 = arith.cmpi slt, %add3A_110, %lt3A_111 : i32
      %convert_element_type3A_113 = arith.extui %lt3A_112 : i1 to i32
      %cond3A_114 = arith.constant 0 : i32
      %cond3A_115 = arith.cmpi ne, %convert_element_type3A_113, %cond3A_114 : i32
      scf.if %cond3A_115 {
        %add3A_231 = arith.constant 2 : i32
        %add3A_232 = arith.addi %add3A_103, %add3A_231 : i32
        %mul3A_233 = arith.constant 40 : i32
        %mul3A_234 = arith.muli %add3A_232, %mul3A_233 : i32
        %dma_start3A_235 = arith.constant 0 : i32
        %dma_start3A_236 = arith.constant 0 : i32
        %dma_start3A_237 = tpu.memref_slice %arg6[%scan3A_24, %dma_start3A_235, %dma_start3A_236] : memref<4x40x768xf32, #tpu.memory_space<vmem>> -> memref<1x40x768xf32, #tpu.memory_space<vmem>>
        %dma_start3A_238 = tpu.memref_squeeze %dma_start3A_237 : memref<1x40x768xf32, #tpu.memory_space<vmem>> -> memref<40x768xf32, #tpu.memory_space<vmem>>
        %dma_start3A_239 = tpu.memref_slice %arg5[%mul3A_234] : memref<2560xi32, #tpu.memory_space<vmem>> -> memref<40xi32, #tpu.memory_space<vmem>>
        %dma_start3A_240 = arith.constant 0 : i32
        %dma_start3A_241 = arith.constant 0 : i32
        %dma_start3A_242 = tpu.memref_slice %arg3[%dma_start3A_240, %dma_start3A_241] : memref<100000x768xf32, #tpu.memory_space<hbm>> -> memref<100000x768xf32, #tpu.memory_space<hbm>>
        tpu.enqueue_indirect_dma source(%dma_start3A_242 : memref<100000x768xf32, #tpu.memory_space<hbm>>) target(%dma_start3A_238 : memref<40x768xf32, #tpu.memory_space<vmem>>) offsets(%dma_start3A_239 : memref<40xi32, #tpu.memory_space<vmem>>) semaphore(%arg10 : memref<!tpu.dma_semaphore, #tpu.memory_space<semaphore_mem>>)
      } else {
      }
      %dma_wait3A_116 = arith.constant 0 : i32
      %dma_wait3A_117 = arith.constant 0 : i32
      %dma_wait3A_118 = tpu.memref_slice %arg6[%scan3A_25, %dma_wait3A_116, %dma_wait3A_117] : memref<4x40x768xf32, #tpu.memory_space<vmem>> -> memref<1x40x768xf32, #tpu.memory_space<vmem>>
      %dma_wait3A_119 = tpu.memref_squeeze %dma_wait3A_118 : memref<1x40x768xf32, #tpu.memory_space<vmem>> -> memref<40x768xf32, #tpu.memory_space<vmem>>
      %dma_wait3A_120 = arith.constant 0 : i32
      %dma_wait3A_121 = arith.constant 0 : i32
      %dma_wait3A_122 = tpu.memref_slice %arg3[%dma_wait3A_120, %dma_wait3A_121] : memref<100000x768xf32, #tpu.memory_space<hbm>> -> memref<40x768xf32, #tpu.memory_space<hbm>>
      %dma_wait3A_123 = arith.constant 0 : i32
      %dma_wait3A_124 = arith.constant 0 : i32
      %dma_wait3A_125 = tpu.memref_slice %arg6[%scan3A_25, %dma_wait3A_123, %dma_wait3A_124] : memref<4x40x768xf32, #tpu.memory_space<vmem>> -> memref<1x40x768xf32, #tpu.memory_space<vmem>>
      %dma_wait3A_126 = tpu.memref_squeeze %dma_wait3A_125 : memref<1x40x768xf32, #tpu.memory_space<vmem>> -> memref<40x768xf32, #tpu.memory_space<vmem>>
      %dma_wait3A_127 = arith.constant 0 : i32
      %dma_wait3A_128 = arith.constant 0 : i32
      %dma_wait3A_129 = tpu.memref_slice %arg3[%dma_wait3A_127, %dma_wait3A_128] : memref<100000x768xf32, #tpu.memory_space<hbm>> -> memref<40x768xf32, #tpu.memory_space<hbm>>
      tpu.wait_dma2 semaphore(%arg8 : memref<!tpu.dma_semaphore, #tpu.memory_space<semaphore_mem>>) src(%dma_wait3A_129 : memref<40x768xf32, #tpu.memory_space<hbm>>) dst(%dma_wait3A_126 : memref<40x768xf32, #tpu.memory_space<vmem>>)
      %mul3A_130 = arith.constant 40 : i32
      %mul3A_131 = arith.muli %add3A_103, %mul3A_130 : i32
      %add3A_132 = arith.addi %mul3A_2, %mul3A_131 : i32
      %dma_start3A_133 = arith.constant 0 : i32
      %dma_start3A_134 = arith.constant 0 : i32
      %dma_start3A_135 = tpu.memref_slice %arg6[%scan3A_25, %dma_start3A_133, %dma_start3A_134] : memref<4x40x768xf32, #tpu.memory_space<vmem>> -> memref<1x40x768xf32, #tpu.memory_space<vmem>>
      %dma_start3A_136 = tpu.memref_squeeze %dma_start3A_135 : memref<1x40x768xf32, #tpu.memory_space<vmem>> -> memref<40x768xf32, #tpu.memory_space<vmem>>
      %dma_start3A_137 = arith.constant 0 : i32
      %dma_start3A_138 = tpu.memref_slice %arg4[%add3A_132, %dma_start3A_137] : memref<81920x768xf32, #tpu.memory_space<hbm>> -> memref<40x768xf32, #tpu.memory_space<hbm>>
      %dma_start3A_139 = arith.constant 0 : i32
      %dma_start3A_140 = tpu.memref_slice %arg4[%add3A_132, %dma_start3A_139] : memref<81920x768xf32, #tpu.memory_space<hbm>> -> memref<40x768xf32, #tpu.memory_space<hbm>>
      %dma_start3A_141 = arith.constant 0 : i32
      %dma_start3A_142 = arith.constant 0 : i32
      %dma_start3A_143 = tpu.memref_slice %arg6[%scan3A_25, %dma_start3A_141, %dma_start3A_142] : memref<4x40x768xf32, #tpu.memory_space<vmem>> -> memref<1x40x768xf32, #tpu.memory_space<vmem>>
      %dma_start3A_144 = tpu.memref_squeeze %dma_start3A_143 : memref<1x40x768xf32, #tpu.memory_space<vmem>> -> memref<40x768xf32, #tpu.memory_space<vmem>>
      tpu.enqueue_dma source(%dma_start3A_144 : memref<40x768xf32, #tpu.memory_space<vmem>>) target(%dma_start3A_140 : memref<40x768xf32, #tpu.memory_space<hbm>>) target_semaphore(%arg12 : memref<!tpu.dma_semaphore, #tpu.memory_space<semaphore_mem>>)
      %add3A_145 = arith.constant 2 : i32
      %add3A_146 = arith.addi %mul3A_62, %add3A_145 : i32
      %ge3A_147 = arith.constant 2 : i32
      %ge3A_148 = arith.cmpi sge, %add3A_146, %ge3A_147 : i32
      %convert_element_type3A_149 = arith.extui %ge3A_148 : i1 to i32
      %cond3A_150 = arith.constant 0 : i32
      %cond3A_151 = arith.cmpi ne, %convert_element_type3A_149, %cond3A_150 : i32
      scf.if %cond3A_151 {
        %dma_wait3A_231 = arith.constant 0 : i32
        %dma_wait3A_232 = arith.constant 0 : i32
        %dma_wait3A_233 = tpu.memref_slice %arg6[%scan3A_23, %dma_wait3A_231, %dma_wait3A_232] : memref<4x40x768xf32, #tpu.memory_space<vmem>> -> memref<1x40x768xf32, #tpu.memory_space<vmem>>
        %dma_wait3A_234 = tpu.memref_squeeze %dma_wait3A_233 : memref<1x40x768xf32, #tpu.memory_space<vmem>> -> memref<40x768xf32, #tpu.memory_space<vmem>>
        %dma_wait3A_235 = arith.constant 0 : i32
        %dma_wait3A_236 = arith.constant 0 : i32
        %dma_wait3A_237 = tpu.memref_slice %arg4[%dma_wait3A_235, %dma_wait3A_236] : memref<81920x768xf32, #tpu.memory_space<hbm>> -> memref<40x768xf32, #tpu.memory_space<hbm>>
        %dma_wait3A_238 = arith.constant 0 : i32
        %dma_wait3A_239 = arith.constant 0 : i32
        %dma_wait3A_240 = tpu.memref_slice %arg4[%dma_wait3A_238, %dma_wait3A_239] : memref<81920x768xf32, #tpu.memory_space<hbm>> -> memref<40x768xf32, #tpu.memory_space<hbm>>
        %dma_wait3A_241 = arith.constant 0 : i32
        %dma_wait3A_242 = arith.constant 0 : i32
        %dma_wait3A_243 = tpu.memref_slice %arg6[%scan3A_23, %dma_wait3A_241, %dma_wait3A_242] : memref<4x40x768xf32, #tpu.memory_space<vmem>> -> memref<1x40x768xf32, #tpu.memory_space<vmem>>
        %dma_wait3A_244 = tpu.memref_squeeze %dma_wait3A_243 : memref<1x40x768xf32, #tpu.memory_space<vmem>> -> memref<40x768xf32, #tpu.memory_space<vmem>>
        tpu.wait_dma2 semaphore(%arg11 : memref<!tpu.dma_semaphore, #tpu.memory_space<semaphore_mem>>) src(%dma_wait3A_244 : memref<40x768xf32, #tpu.memory_space<vmem>>) dst(%dma_wait3A_240 : memref<40x768xf32, #tpu.memory_space<hbm>>)
      } else {
      }
      %add3A_152 = arith.constant 2 : i32
      %add3A_153 = arith.addi %add3A_146, %add3A_152 : i32
      %lt3A_154 = arith.constant 64 : i32
      %lt3A_155 = arith.cmpi slt, %add3A_153, %lt3A_154 : i32
      %convert_element_type3A_156 = arith.extui %lt3A_155 : i1 to i32
      %cond3A_157 = arith.constant 0 : i32
      %cond3A_158 = arith.cmpi ne, %convert_element_type3A_156, %cond3A_157 : i32
      scf.if %cond3A_158 {
        %add3A_231 = arith.constant 2 : i32
        %add3A_232 = arith.addi %add3A_146, %add3A_231 : i32
        %mul3A_233 = arith.constant 40 : i32
        %mul3A_234 = arith.muli %add3A_232, %mul3A_233 : i32
        %dma_start3A_235 = arith.constant 0 : i32
        %dma_start3A_236 = arith.constant 0 : i32
        %dma_start3A_237 = tpu.memref_slice %arg6[%scan3A_23, %dma_start3A_235, %dma_start3A_236] : memref<4x40x768xf32, #tpu.memory_space<vmem>> -> memref<1x40x768xf32, #tpu.memory_space<vmem>>
        %dma_start3A_238 = tpu.memref_squeeze %dma_start3A_237 : memref<1x40x768xf32, #tpu.memory_space<vmem>> -> memref<40x768xf32, #tpu.memory_space<vmem>>
        %dma_start3A_239 = tpu.memref_slice %arg5[%mul3A_234] : memref<2560xi32, #tpu.memory_space<vmem>> -> memref<40xi32, #tpu.memory_space<vmem>>
        %dma_start3A_240 = arith.constant 0 : i32
        %dma_start3A_241 = arith.constant 0 : i32
        %dma_start3A_242 = tpu.memref_slice %arg3[%dma_start3A_240, %dma_start3A_241] : memref<100000x768xf32, #tpu.memory_space<hbm>> -> memref<100000x768xf32, #tpu.memory_space<hbm>>
        tpu.enqueue_indirect_dma source(%dma_start3A_242 : memref<100000x768xf32, #tpu.memory_space<hbm>>) target(%dma_start3A_238 : memref<40x768xf32, #tpu.memory_space<vmem>>) offsets(%dma_start3A_239 : memref<40xi32, #tpu.memory_space<vmem>>) semaphore(%arg7 : memref<!tpu.dma_semaphore, #tpu.memory_space<semaphore_mem>>)
      } else {
      }
      %dma_wait3A_159 = arith.constant 0 : i32
      %dma_wait3A_160 = arith.constant 0 : i32
      %dma_wait3A_161 = tpu.memref_slice %arg6[%scan3A_22, %dma_wait3A_159, %dma_wait3A_160] : memref<4x40x768xf32, #tpu.memory_space<vmem>> -> memref<1x40x768xf32, #tpu.memory_space<vmem>>
      %dma_wait3A_162 = tpu.memref_squeeze %dma_wait3A_161 : memref<1x40x768xf32, #tpu.memory_space<vmem>> -> memref<40x768xf32, #tpu.memory_space<vmem>>
      %dma_wait3A_163 = arith.constant 0 : i32
      %dma_wait3A_164 = arith.constant 0 : i32
      %dma_wait3A_165 = tpu.memref_slice %arg3[%dma_wait3A_163, %dma_wait3A_164] : memref<100000x768xf32, #tpu.memory_space<hbm>> -> memref<40x768xf32, #tpu.memory_space<hbm>>
      %dma_wait3A_166 = arith.constant 0 : i32
      %dma_wait3A_167 = arith.constant 0 : i32
      %dma_wait3A_168 = tpu.memref_slice %arg6[%scan3A_22, %dma_wait3A_166, %dma_wait3A_167] : memref<4x40x768xf32, #tpu.memory_space<vmem>> -> memref<1x40x768xf32, #tpu.memory_space<vmem>>
      %dma_wait3A_169 = tpu.memref_squeeze %dma_wait3A_168 : memref<1x40x768xf32, #tpu.memory_space<vmem>> -> memref<40x768xf32, #tpu.memory_space<vmem>>
      %dma_wait3A_170 = arith.constant 0 : i32
      %dma_wait3A_171 = arith.constant 0 : i32
      %dma_wait3A_172 = tpu.memref_slice %arg3[%dma_wait3A_170, %dma_wait3A_171] : memref<100000x768xf32, #tpu.memory_space<hbm>> -> memref<40x768xf32, #tpu.memory_space<hbm>>
      tpu.wait_dma2 semaphore(%arg9 : memref<!tpu.dma_semaphore, #tpu.memory_space<semaphore_mem>>) src(%dma_wait3A_172 : memref<40x768xf32, #tpu.memory_space<hbm>>) dst(%dma_wait3A_169 : memref<40x768xf32, #tpu.memory_space<vmem>>)
      %mul3A_173 = arith.constant 40 : i32
      %mul3A_174 = arith.muli %add3A_146, %mul3A_173 : i32
      %add3A_175 = arith.addi %mul3A_2, %mul3A_174 : i32
      %dma_start3A_176 = arith.constant 0 : i32
      %dma_start3A_177 = arith.constant 0 : i32
      %dma_start3A_178 = tpu.memref_slice %arg6[%scan3A_22, %dma_start3A_176, %dma_start3A_177] : memref<4x40x768xf32, #tpu.memory_space<vmem>> -> memref<1x40x768xf32, #tpu.memory_space<vmem>>
      %dma_start3A_179 = tpu.memref_squeeze %dma_start3A_178 : memref<1x40x768xf32, #tpu.memory_space<vmem>> -> memref<40x768xf32, #tpu.memory_space<vmem>>
      %dma_start3A_180 = arith.constant 0 : i32
      %dma_start3A_181 = tpu.memref_slice %arg4[%add3A_175, %dma_start3A_180] : memref<81920x768xf32, #tpu.memory_space<hbm>> -> memref<40x768xf32, #tpu.memory_space<hbm>>
      %dma_start3A_182 = arith.constant 0 : i32
      %dma_start3A_183 = tpu.memref_slice %arg4[%add3A_175, %dma_start3A_182] : memref<81920x768xf32, #tpu.memory_space<hbm>> -> memref<40x768xf32, #tpu.memory_space<hbm>>
      %dma_start3A_184 = arith.constant 0 : i32
      %dma_start3A_185 = arith.constant 0 : i32
      %dma_start3A_186 = tpu.memref_slice %arg6[%scan3A_22, %dma_start3A_184, %dma_start3A_185] : memref<4x40x768xf32, #tpu.memory_space<vmem>> -> memref<1x40x768xf32, #tpu.memory_space<vmem>>
      %dma_start3A_187 = tpu.memref_squeeze %dma_start3A_186 : memref<1x40x768xf32, #tpu.memory_space<vmem>> -> memref<40x768xf32, #tpu.memory_space<vmem>>
      tpu.enqueue_dma source(%dma_start3A_187 : memref<40x768xf32, #tpu.memory_space<vmem>>) target(%dma_start3A_183 : memref<40x768xf32, #tpu.memory_space<hbm>>) target_semaphore(%arg13 : memref<!tpu.dma_semaphore, #tpu.memory_space<semaphore_mem>>)
      %add3A_188 = arith.constant 3 : i32
      %add3A_189 = arith.addi %mul3A_62, %add3A_188 : i32
      %ge3A_190 = arith.constant 2 : i32
      %ge3A_191 = arith.cmpi sge, %add3A_189, %ge3A_190 : i32
      %convert_element_type3A_192 = arith.extui %ge3A_191 : i1 to i32
      %cond3A_193 = arith.constant 0 : i32
      %cond3A_194 = arith.cmpi ne, %convert_element_type3A_192, %cond3A_193 : i32
      scf.if %cond3A_194 {
        %dma_wait3A_231 = arith.constant 0 : i32
        %dma_wait3A_232 = arith.constant 0 : i32
        %dma_wait3A_233 = tpu.memref_slice %arg6[%scan3A_25, %dma_wait3A_231, %dma_wait3A_232] : memref<4x40x768xf32, #tpu.memory_space<vmem>> -> memref<1x40x768xf32, #tpu.memory_space<vmem>>
        %dma_wait3A_234 = tpu.memref_squeeze %dma_wait3A_233 : memref<1x40x768xf32, #tpu.memory_space<vmem>> -> memref<40x768xf32, #tpu.memory_space<vmem>>
        %dma_wait3A_235 = arith.constant 0 : i32
        %dma_wait3A_236 = arith.constant 0 : i32
        %dma_wait3A_237 = tpu.memref_slice %arg4[%dma_wait3A_235, %dma_wait3A_236] : memref<81920x768xf32, #tpu.memory_space<hbm>> -> memref<40x768xf32, #tpu.memory_space<hbm>>
        %dma_wait3A_238 = arith.constant 0 : i32
        %dma_wait3A_239 = arith.constant 0 : i32
        %dma_wait3A_240 = tpu.memref_slice %arg4[%dma_wait3A_238, %dma_wait3A_239] : memref<81920x768xf32, #tpu.memory_space<hbm>> -> memref<40x768xf32, #tpu.memory_space<hbm>>
        %dma_wait3A_241 = arith.constant 0 : i32
        %dma_wait3A_242 = arith.constant 0 : i32
        %dma_wait3A_243 = tpu.memref_slice %arg6[%scan3A_25, %dma_wait3A_241, %dma_wait3A_242] : memref<4x40x768xf32, #tpu.memory_space<vmem>> -> memref<1x40x768xf32, #tpu.memory_space<vmem>>
        %dma_wait3A_244 = tpu.memref_squeeze %dma_wait3A_243 : memref<1x40x768xf32, #tpu.memory_space<vmem>> -> memref<40x768xf32, #tpu.memory_space<vmem>>
        tpu.wait_dma2 semaphore(%arg12 : memref<!tpu.dma_semaphore, #tpu.memory_space<semaphore_mem>>) src(%dma_wait3A_244 : memref<40x768xf32, #tpu.memory_space<vmem>>) dst(%dma_wait3A_240 : memref<40x768xf32, #tpu.memory_space<hbm>>)
      } else {
      }
      %add3A_195 = arith.constant 2 : i32
      %add3A_196 = arith.addi %add3A_189, %add3A_195 : i32
      %lt3A_197 = arith.constant 64 : i32
      %lt3A_198 = arith.cmpi slt, %add3A_196, %lt3A_197 : i32
      %convert_element_type3A_199 = arith.extui %lt3A_198 : i1 to i32
      %cond3A_200 = arith.constant 0 : i32
      %cond3A_201 = arith.cmpi ne, %convert_element_type3A_199, %cond3A_200 : i32
      scf.if %cond3A_201 {
        %add3A_231 = arith.constant 2 : i32
        %add3A_232 = arith.addi %add3A_189, %add3A_231 : i32
        %mul3A_233 = arith.constant 40 : i32
        %mul3A_234 = arith.muli %add3A_232, %mul3A_233 : i32
        %dma_start3A_235 = arith.constant 0 : i32
        %dma_start3A_236 = arith.constant 0 : i32
        %dma_start3A_237 = tpu.memref_slice %arg6[%scan3A_25, %dma_start3A_235, %dma_start3A_236] : memref<4x40x768xf32, #tpu.memory_space<vmem>> -> memref<1x40x768xf32, #tpu.memory_space<vmem>>
        %dma_start3A_238 = tpu.memref_squeeze %dma_start3A_237 : memref<1x40x768xf32, #tpu.memory_space<vmem>> -> memref<40x768xf32, #tpu.memory_space<vmem>>
        %dma_start3A_239 = tpu.memref_slice %arg5[%mul3A_234] : memref<2560xi32, #tpu.memory_space<vmem>> -> memref<40xi32, #tpu.memory_space<vmem>>
        %dma_start3A_240 = arith.constant 0 : i32
        %dma_start3A_241 = arith.constant 0 : i32
        %dma_start3A_242 = tpu.memref_slice %arg3[%dma_start3A_240, %dma_start3A_241] : memref<100000x768xf32, #tpu.memory_space<hbm>> -> memref<100000x768xf32, #tpu.memory_space<hbm>>
        tpu.enqueue_indirect_dma source(%dma_start3A_242 : memref<100000x768xf32, #tpu.memory_space<hbm>>) target(%dma_start3A_238 : memref<40x768xf32, #tpu.memory_space<vmem>>) offsets(%dma_start3A_239 : memref<40xi32, #tpu.memory_space<vmem>>) semaphore(%arg8 : memref<!tpu.dma_semaphore, #tpu.memory_space<semaphore_mem>>)
      } else {
      }
      %dma_wait3A_202 = arith.constant 0 : i32
      %dma_wait3A_203 = arith.constant 0 : i32
      %dma_wait3A_204 = tpu.memref_slice %arg6[%scan3A_24, %dma_wait3A_202, %dma_wait3A_203] : memref<4x40x768xf32, #tpu.memory_space<vmem>> -> memref<1x40x768xf32, #tpu.memory_space<vmem>>
      %dma_wait3A_205 = tpu.memref_squeeze %dma_wait3A_204 : memref<1x40x768xf32, #tpu.memory_space<vmem>> -> memref<40x768xf32, #tpu.memory_space<vmem>>
      %dma_wait3A_206 = arith.constant 0 : i32
      %dma_wait3A_207 = arith.constant 0 : i32
      %dma_wait3A_208 = tpu.memref_slice %arg3[%dma_wait3A_206, %dma_wait3A_207] : memref<100000x768xf32, #tpu.memory_space<hbm>> -> memref<40x768xf32, #tpu.memory_space<hbm>>
      %dma_wait3A_209 = arith.constant 0 : i32
      %dma_wait3A_210 = arith.constant 0 : i32
      %dma_wait3A_211 = tpu.memref_slice %arg6[%scan3A_24, %dma_wait3A_209, %dma_wait3A_210] : memref<4x40x768xf32, #tpu.memory_space<vmem>> -> memref<1x40x768xf32, #tpu.memory_space<vmem>>
      %dma_wait3A_212 = tpu.memref_squeeze %dma_wait3A_211 : memref<1x40x768xf32, #tpu.memory_space<vmem>> -> memref<40x768xf32, #tpu.memory_space<vmem>>
      %dma_wait3A_213 = arith.constant 0 : i32
      %dma_wait3A_214 = arith.constant 0 : i32
      %dma_wait3A_215 = tpu.memref_slice %arg3[%dma_wait3A_213, %dma_wait3A_214] : memref<100000x768xf32, #tpu.memory_space<hbm>> -> memref<40x768xf32, #tpu.memory_space<hbm>>
      tpu.wait_dma2 semaphore(%arg10 : memref<!tpu.dma_semaphore, #tpu.memory_space<semaphore_mem>>) src(%dma_wait3A_215 : memref<40x768xf32, #tpu.memory_space<hbm>>) dst(%dma_wait3A_212 : memref<40x768xf32, #tpu.memory_space<vmem>>)
      %mul3A_216 = arith.constant 40 : i32
      %mul3A_217 = arith.muli %add3A_189, %mul3A_216 : i32
      %add3A_218 = arith.addi %mul3A_2, %mul3A_217 : i32
      %dma_start3A_219 = arith.constant 0 : i32
      %dma_start3A_220 = arith.constant 0 : i32
      %dma_start3A_221 = tpu.memref_slice %arg6[%scan3A_24, %dma_start3A_219, %dma_start3A_220] : memref<4x40x768xf32, #tpu.memory_space<vmem>> -> memref<1x40x768xf32, #tpu.memory_space<vmem>>
      %dma_start3A_222 = tpu.memref_squeeze %dma_start3A_221 : memref<1x40x768xf32, #tpu.memory_space<vmem>> -> memref<40x768xf32, #tpu.memory_space<vmem>>
      %dma_start3A_223 = arith.constant 0 : i32
      %dma_start3A_224 = tpu.memref_slice %arg4[%add3A_218, %dma_start3A_223] : memref<81920x768xf32, #tpu.memory_space<hbm>> -> memref<40x768xf32, #tpu.memory_space<hbm>>
      %dma_start3A_225 = arith.constant 0 : i32
      %dma_start3A_226 = tpu.memref_slice %arg4[%add3A_218, %dma_start3A_225] : memref<81920x768xf32, #tpu.memory_space<hbm>> -> memref<40x768xf32, #tpu.memory_space<hbm>>
      %dma_start3A_227 = arith.constant 0 : i32
      %dma_start3A_228 = arith.constant 0 : i32
      %dma_start3A_229 = tpu.memref_slice %arg6[%scan3A_24, %dma_start3A_227, %dma_start3A_228] : memref<4x40x768xf32, #tpu.memory_space<vmem>> -> memref<1x40x768xf32, #tpu.memory_space<vmem>>
      %dma_start3A_230 = tpu.memref_squeeze %dma_start3A_229 : memref<1x40x768xf32, #tpu.memory_space<vmem>> -> memref<40x768xf32, #tpu.memory_space<vmem>>
      tpu.enqueue_dma source(%dma_start3A_230 : memref<40x768xf32, #tpu.memory_space<vmem>>) target(%dma_start3A_226 : memref<40x768xf32, #tpu.memory_space<hbm>>) target_semaphore(%arg14 : memref<!tpu.dma_semaphore, #tpu.memory_space<semaphore_mem>>)
    }
    %scan3A_30 = arith.constant 16 : i32
    %dma_wait3A = arith.constant 2 : i32
    %dma_wait3A_31 = arith.constant 0 : i32
    %dma_wait3A_32 = arith.constant 0 : i32
    %dma_wait3A_33 = tpu.memref_slice %arg6[%dma_wait3A, %dma_wait3A_31, %dma_wait3A_32] : memref<4x40x768xf32, #tpu.memory_space<vmem>> -> memref<1x40x768xf32, #tpu.memory_space<vmem>>
    %dma_wait3A_34 = tpu.memref_squeeze %dma_wait3A_33 : memref<1x40x768xf32, #tpu.memory_space<vmem>> -> memref<40x768xf32, #tpu.memory_space<vmem>>
    %dma_wait3A_35 = arith.constant 0 : i32
    %dma_wait3A_36 = arith.constant 0 : i32
    %dma_wait3A_37 = tpu.memref_slice %arg4[%dma_wait3A_35, %dma_wait3A_36] : memref<81920x768xf32, #tpu.memory_space<hbm>> -> memref<40x768xf32, #tpu.memory_space<hbm>>
    %dma_wait3A_38 = arith.constant 0 : i32
    %dma_wait3A_39 = arith.constant 0 : i32
    %dma_wait3A_40 = tpu.memref_slice %arg4[%dma_wait3A_38, %dma_wait3A_39] : memref<81920x768xf32, #tpu.memory_space<hbm>> -> memref<40x768xf32, #tpu.memory_space<hbm>>
    %dma_wait3A_41 = arith.constant 0 : i32
    %dma_wait3A_42 = arith.constant 0 : i32
    %dma_wait3A_43 = tpu.memref_slice %arg6[%dma_wait3A, %dma_wait3A_41, %dma_wait3A_42] : memref<4x40x768xf32, #tpu.memory_space<vmem>> -> memref<1x40x768xf32, #tpu.memory_space<vmem>>
    %dma_wait3A_44 = tpu.memref_squeeze %dma_wait3A_43 : memref<1x40x768xf32, #tpu.memory_space<vmem>> -> memref<40x768xf32, #tpu.memory_space<vmem>>
    tpu.wait_dma2 semaphore(%arg13 : memref<!tpu.dma_semaphore, #tpu.memory_space<semaphore_mem>>) src(%dma_wait3A_44 : memref<40x768xf32, #tpu.memory_space<vmem>>) dst(%dma_wait3A_40 : memref<40x768xf32, #tpu.memory_space<hbm>>)
    %dma_wait3A_45 = arith.constant 3 : i32
    %dma_wait3A_46 = arith.constant 0 : i32
    %dma_wait3A_47 = arith.constant 0 : i32
    %dma_wait3A_48 = tpu.memref_slice %arg6[%dma_wait3A_45, %dma_wait3A_46, %dma_wait3A_47] : memref<4x40x768xf32, #tpu.memory_space<vmem>> -> memref<1x40x768xf32, #tpu.memory_space<vmem>>
    %dma_wait3A_49 = tpu.memref_squeeze %dma_wait3A_48 : memref<1x40x768xf32, #tpu.memory_space<vmem>> -> memref<40x768xf32, #tpu.memory_space<vmem>>
    %dma_wait3A_50 = arith.constant 0 : i32
    %dma_wait3A_51 = arith.constant 0 : i32
    %dma_wait3A_52 = tpu.memref_slice %arg4[%dma_wait3A_50, %dma_wait3A_51] : memref<81920x768xf32, #tpu.memory_space<hbm>> -> memref<40x768xf32, #tpu.memory_space<hbm>>
    %dma_wait3A_53 = arith.constant 0 : i32
    %dma_wait3A_54 = arith.constant 0 : i32
    %dma_wait3A_55 = tpu.memref_slice %arg4[%dma_wait3A_53, %dma_wait3A_54] : memref<81920x768xf32, #tpu.memory_space<hbm>> -> memref<40x768xf32, #tpu.memory_space<hbm>>
    %dma_wait3A_56 = arith.constant 0 : i32
    %dma_wait3A_57 = arith.constant 0 : i32
    %dma_wait3A_58 = tpu.memref_slice %arg6[%dma_wait3A_45, %dma_wait3A_56, %dma_wait3A_57] : memref<4x40x768xf32, #tpu.memory_space<vmem>> -> memref<1x40x768xf32, #tpu.memory_space<vmem>>
    %dma_wait3A_59 = tpu.memref_squeeze %dma_wait3A_58 : memref<1x40x768xf32, #tpu.memory_space<vmem>> -> memref<40x768xf32, #tpu.memory_space<vmem>>
    tpu.wait_dma2 semaphore(%arg14 : memref<!tpu.dma_semaphore, #tpu.memory_space<semaphore_mem>>) src(%dma_wait3A_59 : memref<40x768xf32, #tpu.memory_space<vmem>>) dst(%dma_wait3A_55 : memref<40x768xf32, #tpu.memory_space<hbm>>)
    return
  }
}

</mosaic_0001>

<sc_bundles>
// kernel: _gather_call.3.cloned.1.call-start
scs
__scs_entry_jumppad:
0x0: {  	(pc) =	sbr.rel $0x88, $3  }
0x1: {  	(tag) =	ssettag $0x0;
	lr =	simm.s32 $0x1  }
0x2: {  	[smem:$0x3F9F] =	sst lr;
	_ =	strace $0xD0000000  }
0x3: {  	_ = 	snop  }
0x4: {  	_ = 	snop  }
0x5: {  	_ = 	snop  }
0x6: {  	_ = 	snop  }
0x7: {  	_ = 	snop  }
__scs_overlays_trampoline_lowered:
0x8: {  	[smem:$0x3FAE] =	sst s0  }
0x9: {  	[smem:$0x3FAF] =	sst s1  }
0xa: {  	[smem:$0x3FB0] =	sst s2  }
0xb: {  	[smem:$0x3FB1] =	sst s3  }
0xc: {  	[smem:$0x3FB2] =	sst s4  }
0xd: {  	[smem:$0x3FB3] =	sst s5  }
0xe: {  	[smem:$0x3FB4] =	sst s6  }
0xf: {  	[smem:$0x3FB5] =	sst s7  }
0x10: {  	[smem:$0x3FB6] =	sst s8  }
0x11: {  	[smem:$0x3FB7] =	sst s9;
	s0 =	simm.s32 @!p0 $0x0  }
0x12: {  	s1 =	sld [smem:$0x3F9D];
	s0 =	simm.s32 @p0 $0x1  }
0x13: {  	[smem:$0x3FB8] =	sst s0;
	s0 =	simm.s32 @!p1 $0x0  }
0x14: {  	s2 =	sld [smem:$0x3F9C];
	s0 =	simm.s32 @p1 $0x1  }
0x15: {  	[smem:$0x3FB9] =	sst s0;
	s0 =	simm.s32 @!p2 $0x0  }
0x16: {  	s3 =	sld [smem:$0x3FDB];
	s0 =	simm.s32 @p2 $0x1  }
0x17: {  	s4 =	simm.s32 $0x1BF5;
	[smem:$0x3FBB] =	sst s0  }
0x18: {  	s0 =	sld [smem:$0x3F9E];
	_ =	swait.ge [sflag:s4], $0x0  }
0x19: {  	s7 =	sld [smem:$0x3F9F]  }
0x1a: {  	s8 =	sadd.s32 $0xFFFFE003, lr  }
0x1b: {  	s9 =	sadd.s32 $0xFFFFFEF7, lr;
	s5 =	simm.s32 $0xFFFFFFFF;
	p2 =	slt.u32 s8, $0xFFFFF086  }
0x1c: {  	p1 =	slt.u32 s9, $0xF7A;
	s5 =	simm.s32 @!p2 $0x0  }
0x1d: {  	s5 =	simm.s32 @p1 $0x1;
	p0 =	seq.s32 s7, s2  }
0x1e: {  	s7 =	smul.u32 @!p0 $0xF7A, s2;
	p2 =	seq.s32 @!p0 s5, $0x0  }
0x1f: {  	s9 =	smul.u32 $0xF7A, s1;
	s8 =	simm.s32 @!p0 $0x1BF5;
	p2 =	por !p2, p0  }
0x20: {  	[sflag:s8] =	ssyncset.s32 @!p0 $0xFFFFF086;
	s6 =	sadd.s32 @!p0 s3, s7;
	s7 =	simm.s32 @!p0 $0x108  }
0x21: {  	s3 =	sadd.s32 s3, s9;
	s6 =	sadd.s32 @!p0 $0x88, s6;
	s7 =	simm.s32 @p2 $0x1082  }
0x22: {  	[simem:s7], [sflag:s8] =	dma.local @!p0 [hbm:s6], $0xF7A  }
0x23: {  	s9 =	sor.u32 $0xD0000000, s2;
	s6 =	simm.s32 $0x108;
	_ =	swait.ge @!p0 [sflag:s8], $0x0  }
0x24: {  	s3 =	sadd.s32 $0x88, s3;
	s6 =	simm.s32 @!p1 $0x1082;
	[sflag:s4] =	ssyncset.s32 $0xFFFFF086  }
0x25: {  	[simem:s6], [sflag:s4] =	dma.local [hbm:s3], $0xF7A  }
0x26: {  	[smem:$0x3F9F] =	sst s1;
	(tag) =	ssettag s2;
	_ =	strace s9  }
0x27: {  	s1 =	sld [smem:$0x3FAF]  }
0x28: {  	s2 =	sld [smem:$0x3FB0]  }
0x29: {  	s4 =	sld [smem:$0x3FB2]  }
0x2a: {  	p0 =	seq.s32 s5, $0x0;
	s5 =	sld [smem:$0x3FB3]  }
0x2b: {  	s6 =	sld [smem:$0x3FB4]  }
0x2c: {  	s7 =	sld [smem:$0x3FB5]  }
0x2d: {  	s3 =	simm.s32 $0x108;
	s8 =	sld [smem:$0x3FB6]  }
0x2e: {  	s3 =	simm.s32 @!p0 $0x1082;
	s9 =	sld [smem:$0x3FB7]  }
0x2f: {  	lr =	sadd.s32 s0, s3;
	s0 =	sld [smem:$0x3FAE]  }
0x30: {  	s3 =	sld [smem:$0x3FB1]  }
0x31: {  	[smem:$0x3FBA] =	sst s10  }
0x32: {  	s10 =	sld [smem:$0x3FB8];
	_ =	sdelay $0x3  }
0x33: {  	p0 =	seq.s32 s10, $0x1;
	s10 =	sld [smem:$0x3FBA];
	_ =	sdelay $0x3  }
0x34: {  	[smem:$0x3FBA] =	sst s10  }
0x35: {  	s10 =	sld [smem:$0x3FB9];
	_ =	sdelay $0x3  }
0x36: {  	p1 =	seq.s32 s10, $0x1;
	s10 =	sld [smem:$0x3FBA];
	_ =	sdelay $0x3  }
0x37: {  	[smem:$0x3FBA] =	sst s10  }
0x38: {  	s10 =	sld [smem:$0x3FBB]  }
0x39: {  	_ = 	snop;
	(pc) =	sbr.ind lr, $3  }
0x3a: {  	_ = 	snop  }
0x3b: {  	_ = 	snop  }
0x3c: {  	p2 =	seq.s32 s10, $0x1;
	s10 =	sld [smem:$0x3FBA]  }
0x3d: {  	_ =	shalt  }
0x3e: {  	_ =	shalt  }
0x3f: {  	_ =	shalt  }
0x40: {  	_ =	shalt  }
0x41: {  	_ =	shalt  }
0x42: {  	_ =	shalt  }
0x43: {  	_ =	shalt  }
0x44: {  	_ =	shalt  }
0x45: {  	_ =	shalt  }
0x46: {  	_ =	shalt  }
0x47: {  	_ =	shalt  }
0x48: {  	_ =	shalt  }
0x49: {  	_ =	shalt  }
0x4a: {  	_ =	shalt  }
0x4b: {  	_ =	shalt  }
0x4c: {  	_ =	shalt  }
0x4d: {  	_ =	shalt  }
0x4e: {  	_ =	shalt  }
0x4f: {  	_ =	shalt  }
0x50: {  	_ =	shalt  }
0x51: {  	_ =	shalt  }
0x52: {  	_ =	shalt  }
0x53: {  	_ =	shalt  }
0x54: {  	_ =	shalt  }
0x55: {  	_ =	shalt  }
0x56: {  	_ =	shalt  }
0x57: {  	_ =	shalt  }
0x58: {  	_ =	shalt  }
0x59: {  	_ =	shalt  }
0x5a: {  	_ =	shalt  }
0x5b: {  	_ =	shalt  }
0x5c: {  	_ =	shalt  }
0x5d: {  	_ =	shalt  }
0x5e: {  	_ =	shalt  }
0x5f: {  	_ =	shalt  }
0x60: {  	_ =	shalt  }
0x61: {  	_ =	shalt  }
0x62: {  	_ =	shalt  }
0x63: {  	_ =	shalt  }
0x64: {  	_ =	shalt  }
0x65: {  	_ =	shalt  }
0x66: {  	_ =	shalt  }
0x67: {  	_ =	shalt  }
0x68: {  	_ =	shalt  }
0x69: {  	_ =	shalt  }
0x6a: {  	_ =	shalt  }
0x6b: {  	_ =	shalt  }
0x6c: {  	_ =	shalt  }
0x6d: {  	_ =	shalt  }
0x6e: {  	_ =	shalt  }
0x6f: {  	_ =	shalt  }
0x70: {  	_ =	shalt  }
0x71: {  	_ =	shalt  }
0x72: {  	_ =	shalt  }
0x73: {  	_ =	shalt  }
0x74: {  	_ =	shalt  }
0x75: {  	_ =	shalt  }
0x76: {  	_ =	shalt  }
0x77: {  	_ =	shalt  }
0x78: {  	_ =	shalt  }
0x79: {  	_ =	shalt  }
0x7a: {  	_ =	shalt  }
0x7b: {  	_ =	shalt  }
0x7c: {  	_ =	shalt  }
0x7d: {  	_ =	shalt  }
0x7e: {  	_ =	shalt  }
0x7f: {  	_ =	shalt  }
0x80: {  	_ =	shalt  }
0x81: {  	_ =	shalt  }
0x82: {  	_ =	shalt  }
0x83: {  	_ =	shalt  }
0x84: {  	_ =	shalt  }
0x85: {  	_ =	shalt  }
0x86: {  	_ =	shalt  }
0x87: {  	_ =	shalt  }
.Lfunc_end0:
.L_simem_size_0:
called_computation_lowered:
.L_overlay_start_0:
0x88: {  	s2 =	sld [smem:$0x3FD9]  }
0x89: {  	s3 =	sld [smem:$0x3FFE];
	_ =	sdelay $0x1  }
0x8a: {  	s1 =	srdreg.scid  }
0x8b: {  	s0 =	sand.u32 $0x1, s1  }
0x8c: {  	s18 =	sshll.u32 s0, $0xA;
	s2 =	sadd.s32 s3, s2  }
0x8d: {  	s2 =	sadd.s32 s2, s18  }
0x8e: {  	[smem:$0x3FC6] =	sst s2  }
0x8f: {  	_ = 	snop  }
0x90: {  	s2 =	sld [smem:$0x3FC9]  }
0x91: {  	s19 =	sld [smem:$0x3FC8]  }
0x92: {  	s4 =	sld [smem:$0x3FD0];
	(tm) =	ssettm $0x1  }
0x93: {  	s5 =	sld [smem:$0x3FFB];
	_ =	sdelay $0x3  }
0x94: {  	_ =	strace s5  }
0x95: {  	s5 =	sld [smem:$0x3FFC];
	_ =	sdelay $0x3  }
0x96: {  	_ =	strace s5  }
0x97: {  	s5 =	sld [smem:$0x3FFD];
	_ =	sdelay $0x3  }
0x98: {  	_ =	strace s5  }
0x99: {  	_ =	strace $0x8FFFFFFF  }
0x9a: {  	s20 =	sld [smem:$0x3FDB];
	_ =	sdelay $0x1  }
0x9b: {  	s6 =	simm.s32 $_scs_section_size  }
0x9c: {  	s7 =	simm.s32 $_size__tile_overlayer_lowered;
	s8 =	simm.s32 $_tile_overlayer_lowered  }
0x9d: {  	s23 =	simm.s32 $0x1BFF;
	s22 =	sshll.u32 s8, $0x1;
	s5 =	sadd.s32 s6, s20  }
0x9e: {  	s9 =	simm.s32 $0x0;
	s21 =	sshll.u32 s7, $0x1;
	s7 =	sadd.s32 s22, s5  }
0x9f: {  	[timem:s9], [sflag:s23] =	dma.local [hbm:s7], s21  }
0xa0: {  	_ =	swait.ge [sflag:s23], s21  }
0xa1: {  	s6 =	ssub.s32 $0x0, s21;
	[sflag:s23] =	ssyncset.done $0x0  }
0xa2: {  	[sflag:s23] =	ssyncadd.s32 s6;
	_ =	sdelay $0x1  }
0xa3: {  	s24 =	simm.s32 $0x1B8B  }
0xa4: {  	_ =	swait.ge [sflag:s24], $0x1  }
0xa5: {  	[sflag:s24] =	ssyncset.done $0x0  }
0xa6: {  	s25 =	simm.s32 $0x1B8E;
	[sflag:s24] =	ssyncadd.s32 $0xFFFFFFFF  }
0xa7: {  	s26 =	simm.s32 $execute0_lowered;
	[smem:$0x3FD2] =	sst s25  }
0xa8: {  	s6 =	sshll.u32 s26, $0x1;
	_ =	strace $0x80000046;
	[dreg:$0x1] =	wrdreg $0xFFFFFFFF  }
0xa9: {  	s28 =	simm.s32 $_size_execute0_lowered;
	s5 =	sadd.s32 s5, s6;
	[dreg:$0x0] =	wrdreg $0x0  }
0xaa: {  	s6 =	sshll.u32 s28, $0x1;
	[dreg:$0x2] =	wrdreg s5  }
0xab: {  	[dreg:$0x3] =	wrdreg s6  }
0xac: {  	[dreg:$0x4] =	wrdreg $0xC0  }
0xad: {  	_ =	task [dreg:s9], $0x5FFFF  }
0xae: {  	[dreg:$0x1] =	wrdreg $0xFFFFFFFF  }
0xaf: {  	[dreg:$0x0] =	wrdreg $0x60  }
0xb0: {  	[dreg:$0x2] =	wrdreg s2  }
0xb1: {  	[dreg:$0x3] =	wrdreg s19  }
0xb2: {  	[dreg:$0x4] =	wrdreg s4  }
0xb3: {  	[dreg:$0x5] =	wrdreg $0x9  }
0xb4: {  	_ =	task.clear_ibuf [dreg:s9], $0x6FFFF;
	_ =	strace $0x90000046  }
0xb5: {  	s29 =	simm.s32 $0x9;
	_ =	strace $0x80000048  }
0xb6: {  	_ =	swait.ge [sflag:s29], $0x1  }
0xb7: {  	[sflag:s29] =	ssyncadd.s32 $0xFFFFFFFF  }
0xb8: {  	_ =	strace $0x90000048  }
0xb9: {  	_ =	sfence  }
0xba: {  	s30 =	sld [smem:$0x0];
	_ =	sdelay $0x2  }
0xbb: {  	s31 =	sshll.u32 s1, $0xD;
	s1 =	sshrl.u32 s1, $0x2  }
0xbc: {  	s3 =	sand.u32 $0x4000, s31;
	s1 =	sadd.s32 s1, s30  }
0xbd: {  	s0 =	sor.u32 s3, s0;
	s1 =	sshll.u32 s1, $0x11  }
0xbe: {  	s0 =	sor.u32 s1, s0  }
0xbf: {  	s0 =	sadd.s32 $0x8F2B, s0  }
0xc0: {  	[sflag:s0] =	ssyncadd.remote.s32 $0x1  }
0xc1: {  	_ =	sfence.sel $0xFFFF  }
0xc2: {  	[dreg:$0x0] =	wrdreg $0xFFFFFFFF;
	(pc) =	sbr.abs _section_cstart, $3  }
0xc3: {  	[dreg:$0x1] =	wrdreg $0xFFFFFFFF  }
0xc4: {  	_ =	task.clear_ibuf [dreg:s9], $0x2FFFF;
	_ =	strace $0x9FFFFFFF  }
0xc5: {  	(tm) =	ssettm $0x7FFFFFFF  }
tec
execute0_lowered:
.L_overlay_start_1:
0x0: {  	(tag) =	ssettag $0x1  }
0x1: {  	s0 =	srdreg.scid  }
0x2: {  	s9 =	stileid.u32;
	s4 =	rddreg [dreg:$0x0]  }
0x3: {  	s2 =	rddreg [dreg:$0x1];
	s0 =	sand.u32 $0x1, s0;
	s1 =	smul.u32 $0x1400, s9  }
0x4: {  	s5 =	rddreg [dreg:$0x2];
	s3 =	smul.u32 $0xA00, s0  }
0x5: {  	s20 =	simm.s32 $0x10200;
	s22 =	simm.s32 $0x10A00;
	s24 =	simm.s32 $0x11200  }
0x6: {  	s26 =	simm.s32 $0x11A00;
	s1 =	sadd.s32 s3, s1;
	s3 =	simm.s32 $0x0  }
0x7: {  	s29 =	simm.s32 $0x12200;
	s30 =	simm.s32 $0x12A00;
	[smem:$0x7FF] =	sst s3  }
0x8: {  	s10 =	simm.s32 $0x14200;
	_ =	strace $0x80000047;
	[dreg:$0x8] =	wrdreg s20  }
0x9: {  	s11 =	simm.s32 $0x14A00;
	s12 =	simm.s32 $0x15200;
	[dreg:$0x9] =	wrdreg s22  }
0xa: {  	s13 =	simm.s32 $0x15A00;
	s14 =	simm.s32 $0x16200;
	[dreg:$0xa] =	wrdreg s24  }
0xb: {  	s15 =	simm.s32 $0x16A00;
	s16 =	simm.s32 $0x17A00;
	[dreg:$0xb] =	wrdreg s26  }
0xc: {  	s17 =	simm.s32 $0x18200;
	s28 =	simm.s32 $0x0;
	[dreg:$0xc] =	wrdreg s29  }
0xd: {  	s25 =	sshll.u32 s9, $0x1;
	s9 =	simm.s32 $0x13A00;
	[dreg:$0xd] =	wrdreg s30  }
0xe: {  	s21 =	ssub.s32 $0x2, s0;
	s0 =	sor.u32 s0, s25;
	[dreg:$0xf] =	wrdreg s9  }
0xf: {  	s25 =	simm.s32 $0x1C200;
	s23 =	sshrl.u32 s21, $0x1;
	[dreg:$0x10] =	wrdreg s10  }
0x10: {  	s0 =	smul.u32 $0xA00, s0;
	s31 =	ssub.s32 s21, s23;
	[dreg:$0x11] =	wrdreg s11  }
0x11: {  	s21 =	simm.s32 $0x1A200;
	s23 =	simm.s32 $0x1B200;
	[dreg:$0x12] =	wrdreg s12  }
0x12: {  	s6 =	sor.u32 $0x50, s1;
	s7 =	sor.u32 $0x78, s1;
	[dreg:$0x13] =	wrdreg s13  }
0x13: {  	s8 =	sshrl.u32 s1, $0x3;
	s1 =	sor.u32 $0x28, s1;
	[dreg:$0x14] =	wrdreg s14  }
0x14: {  	s0 =	sshrl.u32 s0, $0x3;
	s6 =	sshrl.u32 s6, $0x3;
	[dreg:$0x15] =	wrdreg s15  }
0x15: {  	s7 =	sshrl.u32 s7, $0x3;
	s8 =	smul.u32 $0x300, s8;
	[dreg:$0x16] =	wrdreg s16  }
0x16: {  	s1 =	sshrl.u32 s1, $0x3;
	s4 =	sadd.s32 s4, s0;
	[dreg:$0x17] =	wrdreg s17  }
0x17: {  	s9 =	simm.s32 $0xA00;
	s20 =	simm.s32 $0x19A00;
	[dreg:$0x1b] =	wrdreg s21  }
0x18: {  	s22 =	simm.s32 $0x1AA00;
	[dreg:$0x1d] =	wrdreg s23;
	s24 =	simm.s32 $0x1BA00  }
0x19: {  	[dreg:$0x1f] =	wrdreg s25;
	s26 =	simm.s32 $0x1CA00;
	s29 =	simm.s32 $0x1D200  }
0x1a: {  	s30 =	simm.s32 $0x1DA00;
	s0 =	simm.s32 $0xC200;
	s10 =	simm.s32 $0xCA00  }
0x1b: {  	s11 =	simm.s32 $0xD200;
	s12 =	simm.s32 $0xDA00;
	s13 =	simm.s32 $0xE200  }
0x1c: {  	s14 =	simm.s32 $0xEA00;
	s15 =	simm.s32 $0xF200;
	[dreg:$0x1a] =	wrdreg s20  }
0x1d: {  	s16 =	simm.s32 $0xFA00;
	s17 =	simm.s32 $0x1;
	[dreg:$0x1c] =	wrdreg s22  }
0x1e: {  	s21 =	simm.s32 $0x3;
	s6 =	smul.u32 $0x300, s6;
	[dreg:$0x1e] =	wrdreg s24  }
0x1f: {  	s23 =	simm.s32 $0x4;
	s7 =	smul.u32 $0x300, s7;
	[smem:$0x7FA] =	sst s26  }
0x20: {  	s25 =	simm.s32 $0x7;
	s1 =	smul.u32 $0x300, s1;
	[smem:$0x7FB] =	sst s29  }
0x21: {  	[smem:$0x7FC] =	sst s30;
	s24 =	simm.s32 $0x8200;
	s19 =	sadd.s32 s8, s5  }
0x22: {  	s20 =	simm.s32 $0x5;
	s8 =	simm.s32 $0x13200;
	[dreg:$0x6] =	wrdreg s19  }
0x23: {  	s22 =	simm.s32 $0x6;
	s6 =	sadd.s32 s6, s5;
	[dreg:$0xe] =	wrdreg s8  }
0x24: {  	s26 =	simm.s32 $0x8;
	s18 =	sadd.s32 s7, s5;
	[dreg:$0x4] =	wrdreg s6  }
0x25: {  	s1 =	sadd.s32 s1, s5;
	s5 =	sadd.s32 $0x100, s2;
	[dreg:$0x5] =	wrdreg s18  }
0x26: {  	s7 =	smax.u32 s31, $0x1;
	s19 =	simm.s32 $0x19200;
	[dreg:$0x7] =	wrdreg s1  }
0x27: {  	v2 =	vlaneseq.u32;
	s8 =	simm.s32 $0x9;
	s31 =	simm.s32 $0x1E200;
	[dreg:$0x19] =	wrdreg s19  }
0x28: {  	vm0 =	vmmov $0xffff;
	v1 =	vshrl.u32 v2, $0x3;
	s6 =	sadd.s32 $0x200, s2;
	s18 =	simm.s32 $0x18A00;
	[smem:$0x7FD] =	sst s31  }
0x29: {  	v0 =	vand.u32 $0x7, v2;
	v2 =	vor.u32 $0x8, v2;
	v1 =	vmul.u32 $0x8, v1;
	s19 =	simm.s32 $0x2;
	[dreg:$0x18] =	wrdreg s18;
	s18 =	simm.s32 $0x17200  }
.LBB2_1:
0x2a: {  	[tilespmem:s3], [sflag:$0x9] =	stream.linear.gather [hbm4b:s4+s3], $0xA00, $0x38;
	[tilespmem:$0x1EA00] =	vst v63  }
0x2b: {  	_ =	swait.ge [sflag:s8], $0xA00  }
0x2c: {  	[sflag:s8] =	ssyncset.done $0x0  }
0x2d: {  	[sflag:s8] =	ssyncadd.s32 $0xFFFFF600  }
0x2e: {  	v3 =	vld [tilespmem:$0x0];
	_ =	sdelay $0x4  }
0x2f: {  	v4 =	vshrl.u32 v3, $0x3  }
0x30: {  	v4 =	vmul.u32 $0x30, v4  }
0x31: {  	v3 =	vand.u32 $0x7, v3  }
0x32: {  	v3 =	vor.u32 v3, v4  }
0x33: {  	v4 =	vperm.xlane v3, v0;
	_ =	sdelay $0x1  }
0x34: {  	v4 =	vadd.s32 v1, v4;
	_ =	sdelay $0x3  }
0x35: {  	v3 =	vperm.xlane v3, v2  }
0x36: {  	[tilespmem:s9], [sflag:$0x1] =	stream.indirect_vreg.gather [hbm4b:s2+s3], $0x80, v4, vm0, $0xb8;
	[tilespmem:$0x1EA00] =	vst v63  }
0x37: {  	s1 =	simm.s32 $0x1200;
	v3 =	vadd.s32 v1, v3  }
0x38: {  	[tilespmem:s1], [sflag:$0x1] =	stream.indirect_vreg.gather [hbm4b:s5+s3], $0x80, v4, vm0, $0xb8;
	[tilespmem:$0x1EA00] =	vst v63  }
0x39: {  	s31 =	simm.s32 $0x1A00  }
0x3a: {  	[tilespmem:s31], [sflag:$0x1] =	stream.indirect_vreg.gather [hbm4b:s6+s3], $0x80, v4, vm0, $0xb8;
	[tilespmem:$0x1EA00] =	vst v63  }
0x3b: {  	s31 =	simm.s32 $0x2200  }
0x3c: {  	[tilespmem:s31], [sflag:$0x1] =	stream.indirect_vreg.gather [hbm4b:s2+s3], $0x80, v3, vm0, $0xb8;
	[tilespmem:$0x1EA00] =	vst v63  }
0x3d: {  	s31 =	simm.s32 $0x2A00  }
0x3e: {  	[tilespmem:s31], [sflag:$0x1] =	stream.indirect_vreg.gather [hbm4b:s5+s3], $0x80, v3, vm0, $0xb8;
	[tilespmem:$0x1EA00] =	vst v63  }
0x3f: {  	s31 =	simm.s32 $0x3200  }
0x40: {  	[tilespmem:s31], [sflag:$0x1] =	stream.indirect_vreg.gather [hbm4b:s6+s3], $0x80, v3, vm0, $0xb8;
	[tilespmem:$0x1EA00] =	vst v63  }
0x41: {  	v3 =	vld [tilespmem:$0x10];
	_ =	sdelay $0x4  }
0x42: {  	v59 =	vshrl.u32 v3, $0x3  }
0x43: {  	v4 =	vmul.u32 $0x30, v59  }
0x44: {  	v3 =	vand.u32 $0x7, v3  }
0x45: {  	v3 =	vor.u32 v3, v4  }
0x46: {  	v4 =	vperm.xlane v3, v0;
	_ =	sdelay $0x1  }
0x47: {  	v4 =	vadd.s32 v1, v4;
	_ =	sdelay $0x3  }
0x48: {  	s31 =	simm.s32 $0x3A00;
	v3 =	vperm.xlane v3, v2  }
0x49: {  	[tilespmem:s31], [sflag:$0x1] =	stream.indirect_vreg.gather [hbm4b:s2+s3], $0x80, v4, vm0, $0xb8;
	[tilespmem:$0x1EA00] =	vst v63  }
0x4a: {  	v3 =	vadd.s32 v1, v3;
	s31 =	simm.s32 $0x4200  }
0x4b: {  	[tilespmem:s31], [sflag:$0x1] =	stream.indirect_vreg.gather [hbm4b:s5+s3], $0x80, v4, vm0, $0xb8;
	[tilespmem:$0x1EA00] =	vst v63  }
0x4c: {  	s31 =	simm.s32 $0x4A00  }
0x4d: {  	[tilespmem:s31], [sflag:$0x1] =	stream.indirect_vreg.gather [hbm4b:s6+s3], $0x80, v4, vm0, $0xb8;
	[tilespmem:$0x1EA00] =	vst v63  }
0x4e: {  	s31 =	simm.s32 $0x5200  }
0x4f: {  	[tilespmem:s31], [sflag:$0x1] =	stream.indirect_vreg.gather [hbm4b:s2+s3], $0x80, v3, vm0, $0xb8;
	[tilespmem:$0x1EA00] =	vst v63  }
0x50: {  	s31 =	simm.s32 $0x5A00  }
0x51: {  	[tilespmem:s31], [sflag:$0x1] =	stream.indirect_vreg.gather [hbm4b:s5+s3], $0x80, v3, vm0, $0xb8;
	[tilespmem:$0x1EA00] =	vst v63  }
0x52: {  	s31 =	simm.s32 $0x6200  }
0x53: {  	[tilespmem:s31], [sflag:$0x1] =	stream.indirect_vreg.gather [hbm4b:s6+s3], $0x80, v3, vm0, $0xb8;
	[tilespmem:$0x1EA00] =	vst v63  }
0x54: {  	v3 =	vld.msk [tilespmem:$0x20], $0xff;
	_ =	sdelay $0x4  }
0x55: {  	v60 =	vshrl.u32 v3, $0x3  }
0x56: {  	v4 =	vmul.u32 $0x30, v60  }
0x57: {  	v3 =	vand.u32 $0x7, v3  }
0x58: {  	v3 =	vor.u32 v3, v4  }
0x59: {  	v3 =	vperm.xlane v3, v0;
	_ =	sdelay $0x1  }
0x5a: {  	v3 =	vadd.s32 v1, v3;
	_ =	sdelay $0x3  }
0x5b: {  	s31 =	simm.s32 $0x6A00  }
0x5c: {  	[tilespmem:s31], [sflag:$0x1] =	stream.indirect_vreg.gather [hbm4b:s2+s3], $0x80, v3, vm0, $0xb8;
	[tilespmem:$0x1EA00] =	vst v63  }
0x5d: {  	s31 =	simm.s32 $0x7200  }
0x5e: {  	[tilespmem:s31], [sflag:$0x1] =	stream.indirect_vreg.gather [hbm4b:s5+s3], $0x80, v3, vm0, $0xb8;
	[tilespmem:$0x1EA00] =	vst v63  }
0x5f: {  	s31 =	simm.s32 $0x7A00  }
0x60: {  	[tilespmem:s31], [sflag:$0x1] =	stream.indirect_vreg.gather [hbm4b:s6+s3], $0x80, v3, vm0, $0xb8;
	[tilespmem:$0x1EA00] =	vst v63  }
0x61: {  	v3 =	vld [tilespmem:$0x28];
	_ =	sdelay $0x4  }
0x62: {  	v61 =	vshrl.u32 v3, $0x3  }
0x63: {  	v4 =	vmul.u32 $0x30, v61  }
0x64: {  	v3 =	vand.u32 $0x7, v3  }
0x65: {  	v3 =	vor.u32 v3, v4  }
0x66: {  	v4 =	vperm.xlane v3, v0;
	_ =	sdelay $0x1  }
0x67: {  	v4 =	vadd.s32 v1, v4;
	_ =	sdelay $0x3  }
0x68: {  	v3 =	vperm.xlane v3, v2  }
0x69: {  	[tilespmem:s24], [sflag:$0x2] =	stream.indirect_vreg.gather [hbm4b:s2+s3], $0x80, v4, vm0, $0xb8;
	[tilespmem:$0x1EA00] =	vst v63  }
0x6a: {  	s31 =	simm.s32 $0x8A00;
	v3 =	vadd.s32 v1, v3  }
0x6b: {  	[tilespmem:s31], [sflag:$0x2] =	stream.indirect_vreg.gather [hbm4b:s5+s3], $0x80, v4, vm0, $0xb8;
	[tilespmem:$0x1EA00] =	vst v63  }
0x6c: {  	s31 =	simm.s32 $0x9200  }
0x6d: {  	[tilespmem:s31], [sflag:$0x2] =	stream.indirect_vreg.gather [hbm4b:s6+s3], $0x80, v4, vm0, $0xb8;
	[tilespmem:$0x1EA00] =	vst v63  }
0x6e: {  	s31 =	simm.s32 $0x9A00  }
0x6f: {  	[tilespmem:s31], [sflag:$0x2] =	stream.indirect_vreg.gather [hbm4b:s2+s3], $0x80, v3, vm0, $0xb8;
	[tilespmem:$0x1EA00] =	vst v63  }
0x70: {  	s31 =	simm.s32 $0xA200  }
0x71: {  	[tilespmem:s31], [sflag:$0x2] =	stream.indirect_vreg.gather [hbm4b:s5+s3], $0x80, v3, vm0, $0xb8;
	[tilespmem:$0x1EA00] =	vst v63  }
0x72: {  	s31 =	simm.s32 $0xAA00  }
0x73: {  	[tilespmem:s31], [sflag:$0x2] =	stream.indirect_vreg.gather [hbm4b:s6+s3], $0x80, v3, vm0, $0xb8;
	[tilespmem:$0x1EA00] =	vst v63  }
0x74: {  	v3 =	vld [tilespmem:$0x38];
	_ =	sdelay $0x4  }
0x75: {  	v62 =	vshrl.u32 v3, $0x3  }
0x76: {  	v4 =	vmul.u32 $0x30, v62  }
0x77: {  	v3 =	vand.u32 $0x7, v3  }
0x78: {  	v3 =	vor.u32 v3, v4  }
0x79: {  	v4 =	vperm.xlane v3, v0;
	_ =	sdelay $0x1  }
0x7a: {  	v4 =	vadd.s32 v1, v4;
	_ =	sdelay $0x3  }
0x7b: {  	s31 =	simm.s32 $0xB200;
	v3 =	vperm.xlane v3, v2  }
0x7c: {  	[tilespmem:s31], [sflag:$0x2] =	stream.indirect_vreg.gather [hbm4b:s2+s3], $0x80, v4, vm0, $0xb8;
	[tilespmem:$0x1EA00] =	vst v63  }
0x7d: {  	v3 =	vadd.s32 v1, v3;
	s31 =	simm.s32 $0xBA00  }
0x7e: {  	[tilespmem:s31], [sflag:$0x2] =	stream.indirect_vreg.gather [hbm4b:s5+s3], $0x80, v4, vm0, $0xb8;
	[tilespmem:$0x1EA00] =	vst v63  }
0x7f: {  	_ = 	snop  }
0x80: {  	[tilespmem:s0], [sflag:$0x2] =	stream.indirect_vreg.gather [hbm4b:s6+s3], $0x80, v4, vm0, $0xb8;
	[tilespmem:$0x1EA00] =	vst v63  }
0x81: {  	_ = 	snop  }
0x82: {  	[tilespmem:s10], [sflag:$0x2] =	stream.indirect_vreg.gather [hbm4b:s2+s3], $0x80, v3, vm0, $0xb8;
	[tilespmem:$0x1EA00] =	vst v63  }
0x83: {  	_ = 	snop  }
0x84: {  	[tilespmem:s11], [sflag:$0x2] =	stream.indirect_vreg.gather [hbm4b:s5+s3], $0x80, v3, vm0, $0xb8;
	[tilespmem:$0x1EA00] =	vst v63  }
0x85: {  	_ = 	snop  }
0x86: {  	[tilespmem:s12], [sflag:$0x2] =	stream.indirect_vreg.gather [hbm4b:s6+s3], $0x80, v3, vm0, $0xb8;
	[tilespmem:$0x1EA00] =	vst v63  }
0x87: {  	v3 =	vld.msk [tilespmem:$0x48], $0xff;
	_ =	sdelay $0x4  }
0x88: {  	v63 =	vshrl.u32 v3, $0x3  }
0x89: {  	v4 =	vmul.u32 $0x30, v63  }
0x8a: {  	v3 =	vand.u32 $0x7, v3  }
0x8b: {  	v3 =	vor.u32 v3, v4  }
0x8c: {  	v3 =	vperm.xlane v3, v0;
	_ =	sdelay $0x1  }
0x8d: {  	v3 =	vadd.s32 v1, v3;
	_ =	sdelay $0x4  }
0x8e: {  	[tilespmem:s13], [sflag:$0x2] =	stream.indirect_vreg.gather [hbm4b:s2+s3], $0x80, v3, vm0, $0xb8;
	[tilespmem:$0x1EA00] =	vst v63  }
0x8f: {  	_ = 	snop  }
0x90: {  	[tilespmem:s14], [sflag:$0x2] =	stream.indirect_vreg.gather [hbm4b:s5+s3], $0x80, v3, vm0, $0xb8;
	[tilespmem:$0x1EA00] =	vst v63  }
0x91: {  	s29 =	simm.s32 $0x78;
	s30 =	simm.s32 $0x0  }
0x92: {  	[tilespmem:s15], [sflag:$0x2] =	stream.indirect_vreg.gather [hbm4b:s6+s3], $0x80, v3, vm0, $0xb8;
	[tilespmem:$0x1EA00] =	vst v63  }
.LBB2_2:
0x93: {  	p0 =	seq.s32 s30, $0x0  }
0x94: {  	s31 =	simm.s32 @!p0 $0x7  }
0x95: {  	_ =	swait.ge @!p0 [sflag:s31], $0x7800  }
0x96: {  	[sflag:s31] =	ssyncset.done @!p0 $0x0  }
0x97: {  	[sflag:s31] =	ssyncadd.s32 @!p0 $0xFFFF8800  }
0x98: {  	v3 =	vld [tilespmem:s29+$0xFFFFFFD8];
	_ =	sdelay $0x4  }
0x99: {  	v4 =	vshrl.u32 v3, $0x3  }
0x9a: {  	v4 =	vmul.u32 $0x30, v4  }
0x9b: {  	v3 =	vand.u32 $0x7, v3  }
0x9c: {  	v3 =	vor.u32 v3, v4  }
0x9d: {  	v4 =	vperm.xlane v3, v0;
	_ =	sdelay $0x1  }
0x9e: {  	v4 =	vadd.s32 v1, v4;
	_ =	sdelay $0x3  }
0x9f: {  	v3 =	vperm.xlane v3, v2  }
0xa0: {  	[tilespmem:s16], [sflag:$0x3] =	stream.indirect_vreg.gather [hbm4b:s2+s3], $0x80, v4, vm0, $0xb8;
	[tilespmem:$0x1EA00] =	vst v63  }
0xa1: {  	s31 =	rddreg [dreg:$0x8];
	v3 =	vadd.s32 v1, v3  }
0xa2: {  	[tilespmem:s31], [sflag:$0x3] =	stream.indirect_vreg.gather [hbm4b:s5+s3], $0x80, v4, vm0, $0xb8;
	[tilespmem:$0x1EA00] =	vst v63  }
0xa3: {  	s1 =	rddreg [dreg:$0x9]  }
0xa4: {  	[tilespmem:s1], [sflag:$0x3] =	stream.indirect_vreg.gather [hbm4b:s6+s3], $0x80, v4, vm0, $0xb8;
	[tilespmem:$0x1EA00] =	vst v63  }
0xa5: {  	s31 =	rddreg [dreg:$0xa]  }
0xa6: {  	[tilespmem:s31], [sflag:$0x3] =	stream.indirect_vreg.gather [hbm4b:s2+s3], $0x80, v3, vm0, $0xb8;
	[tilespmem:$0x1EA00] =	vst v63  }
0xa7: {  	s1 =	rddreg [dreg:$0xb]  }
0xa8: {  	[tilespmem:s1], [sflag:$0x3] =	stream.indirect_vreg.gather [hbm4b:s5+s3], $0x80, v3, vm0, $0xb8;
	[tilespmem:$0x1EA00] =	vst v63  }
0xa9: {  	s31 =	rddreg [dreg:$0xc]  }
0xaa: {  	[tilespmem:s31], [sflag:$0x3] =	stream.indirect_vreg.gather [hbm4b:s6+s3], $0x80, v3, vm0, $0xb8;
	[tilespmem:$0x1EA00] =	vst v63  }
0xab: {  	v3 =	vld [tilespmem:s29+$0xFFFFFFE8];
	_ =	sdelay $0x4  }
0xac: {  	v59 =	vshrl.u32 v3, $0x3  }
0xad: {  	v4 =	vmul.u32 $0x30, v59  }
0xae: {  	v3 =	vand.u32 $0x7, v3  }
0xaf: {  	v3 =	vor.u32 v3, v4  }
0xb0: {  	v4 =	vperm.xlane v3, v0;
	_ =	sdelay $0x1  }
0xb1: {  	v4 =	vadd.s32 v1, v4;
	_ =	sdelay $0x3  }
0xb2: {  	s1 =	rddreg [dreg:$0xd];
	v3 =	vperm.xlane v3, v2  }
0xb3: {  	[tilespmem:s1], [sflag:$0x3] =	stream.indirect_vreg.gather [hbm4b:s2+s3], $0x80, v4, vm0, $0xb8;
	[tilespmem:$0x1EA00] =	vst v63  }
0xb4: {  	s31 =	rddreg [dreg:$0xe];
	v3 =	vadd.s32 v1, v3  }
0xb5: {  	[tilespmem:s31], [sflag:$0x3] =	stream.indirect_vreg.gather [hbm4b:s5+s3], $0x80, v4, vm0, $0xb8;
	[tilespmem:$0x1EA00] =	vst v63  }
0xb6: {  	s1 =	rddreg [dreg:$0xf]  }
0xb7: {  	[tilespmem:s1], [sflag:$0x3] =	stream.indirect_vreg.gather [hbm4b:s6+s3], $0x80, v4, vm0, $0xb8;
	[tilespmem:$0x1EA00] =	vst v63  }
0xb8: {  	s31 =	rddreg [dreg:$0x10]  }
0xb9: {  	[tilespmem:s31], [sflag:$0x3] =	stream.indirect_vreg.gather [hbm4b:s2+s3], $0x80, v3, vm0, $0xb8;
	[tilespmem:$0x1EA00] =	vst v63  }
0xba: {  	s1 =	rddreg [dreg:$0x11]  }
0xbb: {  	[tilespmem:s1], [sflag:$0x3] =	stream.indirect_vreg.gather [hbm4b:s5+s3], $0x80, v3, vm0, $0xb8;
	[tilespmem:$0x1EA00] =	vst v63  }
0xbc: {  	s31 =	rddreg [dreg:$0x12]  }
0xbd: {  	[tilespmem:s31], [sflag:$0x3] =	stream.indirect_vreg.gather [hbm4b:s6+s3], $0x80, v3, vm0, $0xb8;
	[tilespmem:$0x1EA00] =	vst v63  }
0xbe: {  	v3 =	vld.msk [tilespmem:s29+$0xFFFFFFF8], $0xff;
	_ =	sdelay $0x4  }
0xbf: {  	v60 =	vshrl.u32 v3, $0x3  }
0xc0: {  	v4 =	vmul.u32 $0x30, v60  }
0xc1: {  	v3 =	vand.u32 $0x7, v3  }
0xc2: {  	v3 =	vor.u32 v3, v4  }
0xc3: {  	v3 =	vperm.xlane v3, v0;
	_ =	sdelay $0x1  }
0xc4: {  	v3 =	vadd.s32 v1, v3;
	_ =	sdelay $0x3  }
0xc5: {  	s1 =	rddreg [dreg:$0x13]  }
0xc6: {  	[tilespmem:s1], [sflag:$0x3] =	stream.indirect_vreg.gather [hbm4b:s2+s3], $0x80, v3, vm0, $0xb8;
	[tilespmem:$0x1EA00] =	vst v63  }
0xc7: {  	s31 =	rddreg [dreg:$0x14]  }
0xc8: {  	[tilespmem:s31], [sflag:$0x3] =	stream.indirect_vreg.gather [hbm4b:s5+s3], $0x80, v3, vm0, $0xb8;
	[tilespmem:$0x1EA00] =	vst v63  }
0xc9: {  	s1 =	rddreg [dreg:$0x15]  }
0xca: {  	[tilespmem:s1], [sflag:$0x3] =	stream.indirect_vreg.gather [hbm4b:s6+s3], $0x80, v3, vm0, $0xb8;
	[tilespmem:$0x1EA00] =	vst v63  }
0xcb: {  	_ =	swait.ge [sflag:s17], $0x7800  }
0xcc: {  	s31 =	rddreg [dreg:$0x6];
	[sflag:s17] =	ssyncset.done $0x0  }
0xcd: {  	[sflag:s17] =	ssyncadd.s32 $0xFFFF8800;
	s1 =	sadd.s32 s30, s31  }
0xce: {  	[hbm4b:s1+s3] =	stream.linear.scatter [tilespmem:s9], [sflag:$0x5], $0x7800, $0x38;
	[tilespmem:$0x1EA00] =	vst v63  }
0xcf: {  	s1 =	simm.s32 @!p0 $0x8  }
0xd0: {  	_ =	swait.ge @!p0 [sflag:s1], $0x7800  }
0xd1: {  	[sflag:s1] =	ssyncset.done @!p0 $0x0  }
0xd2: {  	[sflag:s1] =	ssyncadd.s32 @!p0 $0xFFFF8800  }
0xd3: {  	v3 =	vld [tilespmem:s29+$0x0];
	_ =	sdelay $0x4  }
0xd4: {  	v61 =	vshrl.u32 v3, $0x3  }
0xd5: {  	v4 =	vmul.u32 $0x30, v61  }
0xd6: {  	v3 =	vand.u32 $0x7, v3  }
0xd7: {  	v3 =	vor.u32 v3, v4  }
0xd8: {  	v4 =	vperm.xlane v3, v0;
	_ =	sdelay $0x1  }
0xd9: {  	v4 =	vadd.s32 v1, v4;
	_ =	sdelay $0x3  }
0xda: {  	v3 =	vperm.xlane v3, v2  }
0xdb: {  	[tilespmem:s18], [sflag:$0x4] =	stream.indirect_vreg.gather [hbm4b:s2+s3], $0x80, v4, vm0, $0xb8;
	[tilespmem:$0x1EA00] =	vst v63  }
0xdc: {  	s1 =	rddreg [dreg:$0x16];
	v3 =	vadd.s32 v1, v3  }
0xdd: {  	[tilespmem:s1], [sflag:$0x4] =	stream.indirect_vreg.gather [hbm4b:s5+s3], $0x80, v4, vm0, $0xb8;
	[tilespmem:$0x1EA00] =	vst v63  }
0xde: {  	s31 =	rddreg [dreg:$0x17]  }
0xdf: {  	[tilespmem:s31], [sflag:$0x4] =	stream.indirect_vreg.gather [hbm4b:s6+s3], $0x80, v4, vm0, $0xb8;
	[tilespmem:$0x1EA00] =	vst v63  }
0xe0: {  	s1 =	rddreg [dreg:$0x18]  }
0xe1: {  	[tilespmem:s1], [sflag:$0x4] =	stream.indirect_vreg.gather [hbm4b:s2+s3], $0x80, v3, vm0, $0xb8;
	[tilespmem:$0x1EA00] =	vst v63  }
0xe2: {  	s31 =	rddreg [dreg:$0x19]  }
0xe3: {  	[tilespmem:s31], [sflag:$0x4] =	stream.indirect_vreg.gather [hbm4b:s5+s3], $0x80, v3, vm0, $0xb8;
	[tilespmem:$0x1EA00] =	vst v63  }
0xe4: {  	s1 =	rddreg [dreg:$0x1a]  }
0xe5: {  	[tilespmem:s1], [sflag:$0x4] =	stream.indirect_vreg.gather [hbm4b:s6+s3], $0x80, v3, vm0, $0xb8;
	[tilespmem:$0x1EA00] =	vst v63  }
0xe6: {  	v3 =	vld [tilespmem:s29+$0x10];
	_ =	sdelay $0x4  }
0xe7: {  	v62 =	vshrl.u32 v3, $0x3  }
0xe8: {  	v4 =	vmul.u32 $0x30, v62  }
0xe9: {  	v3 =	vand.u32 $0x7, v3  }
0xea: {  	v3 =	vor.u32 v3, v4  }
0xeb: {  	v4 =	vperm.xlane v3, v0;
	_ =	sdelay $0x1  }
0xec: {  	v4 =	vadd.s32 v1, v4;
	_ =	sdelay $0x2  }
0xed: {  	s31 =	rddreg [dreg:$0x1c]  }
0xee: {  	s1 =	rddreg [dreg:$0x1b];
	v3 =	vperm.xlane v3, v2  }
0xef: {  	[tilespmem:s1], [sflag:$0x4] =	stream.indirect_vreg.gather [hbm4b:s2+s3], $0x80, v4, vm0, $0xb8;
	[tilespmem:$0x1EA00] =	vst v63  }
0xf0: {  	v3 =	vadd.s32 v1, v3;
	s1 =	rddreg [dreg:$0x1d]  }
0xf1: {  	[tilespmem:s31], [sflag:$0x4] =	stream.indirect_vreg.gather [hbm4b:s5+s3], $0x80, v4, vm0, $0xb8;
	[tilespmem:$0x1EA00] =	vst v63  }
0xf2: {  	s31 =	rddreg [dreg:$0x1e]  }
0xf3: {  	[tilespmem:s1], [sflag:$0x4] =	stream.indirect_vreg.gather [hbm4b:s6+s3], $0x80, v4, vm0, $0xb8;
	[tilespmem:$0x1EA00] =	vst v63  }
0xf4: {  	s1 =	rddreg [dreg:$0x1f]  }
0xf5: {  	[tilespmem:s31], [sflag:$0x4] =	stream.indirect_vreg.gather [hbm4b:s2+s3], $0x80, v3, vm0, $0xb8;
	[tilespmem:$0x1EA00] =	vst v63  }
0xf6: {  	s31 =	sld [smem:$0x7FA]  }
0xf7: {  	[tilespmem:s1], [sflag:$0x4] =	stream.indirect_vreg.gather [hbm4b:s5+s3], $0x80, v3, vm0, $0xb8;
	[tilespmem:$0x1EA00] =	vst v63  }
0xf8: {  	_ = 	snop  }
0xf9: {  	[tilespmem:s31], [sflag:$0x4] =	stream.indirect_vreg.gather [hbm4b:s6+s3], $0x80, v3, vm0, $0xb8;
	[tilespmem:$0x1EA00] =	vst v63  }
0xfa: {  	v3 =	vld.msk [tilespmem:s29+$0x20], $0xff;
	_ =	sdelay $0x4  }
0xfb: {  	v63 =	vshrl.u32 v3, $0x3  }
0xfc: {  	v4 =	vmul.u32 $0x30, v63  }
0xfd: {  	v3 =	vand.u32 $0x7, v3  }
0xfe: {  	v3 =	vor.u32 v3, v4  }
0xff: {  	v3 =	vperm.xlane v3, v0;
	_ =	sdelay $0x1  }
0x100: {  	v3 =	vadd.s32 v1, v3;
	_ =	sdelay $0x1  }
0x101: {  	s1 =	sld [smem:$0x7FB];
	_ =	sdelay $0x1  }
0x102: {  	s31 =	sld [smem:$0x7FC]  }
0x103: {  	[tilespmem:s1], [sflag:$0x4] =	stream.indirect_vreg.gather [hbm4b:s2+s3], $0x80, v3, vm0, $0xb8;
	[tilespmem:$0x1EA00] =	vst v63  }
0x104: {  	s1 =	sld [smem:$0x7FD]  }
0x105: {  	[tilespmem:s31], [sflag:$0x4] =	stream.indirect_vreg.gather [hbm4b:s5+s3], $0x80, v3, vm0, $0xb8;
	[tilespmem:$0x1EA00] =	vst v63  }
0x106: {  	_ = 	snop  }
0x107: {  	[tilespmem:s1], [sflag:$0x4] =	stream.indirect_vreg.gather [hbm4b:s6+s3], $0x80, v3, vm0, $0xb8;
	[tilespmem:$0x1EA00] =	vst v63  }
0x108: {  	_ =	swait.ge [sflag:s19], $0x7800  }
0x109: {  	s31 =	rddreg [dreg:$0x7];
	[sflag:s19] =	ssyncset.done $0x0  }
0x10a: {  	[sflag:s19] =	ssyncadd.s32 $0xFFFF8800;
	s1 =	sadd.s32 s30, s31  }
0x10b: {  	[hbm4b:s1+s3] =	stream.linear.scatter [tilespmem:s24], [sflag:$0x6], $0x7800, $0x38;
	[tilespmem:$0x1EA00] =	vst v63  }
0x10c: {  	_ =	swait.ge [sflag:s20], $0x7800  }
0x10d: {  	[sflag:s20] =	ssyncset.done $0x0  }
0x10e: {  	p0 =	seq.s32 s30, $0x38400;
	[sflag:s20] =	ssyncadd.s32 $0xFFFF8800  }
0x10f: {  	v3 =	vld @!p0 [tilespmem:s29+$0x28];
	_ =	sdelay $0x4  }
0x110: {  	v4 =	vshrl.u32 @!p0 v3, $0x3  }
0x111: {  	v4 =	vmul.u32 @!p0 $0x30, v4  }
0x112: {  	v5 =	vlaneseq.u32 @!p0;
	v3 =	vand.u32 @!p0 $0x7, v3  }
0x113: {  	v6 =	vshrl.u32 @!p0 v5, $0x3;
	v3 =	vor.u32 @!p0 v3, v4;
	v4 =	vand.u32 @!p0 $0x7, v5  }
0x114: {  	v6 =	vmul.u32 @!p0 $0x8, v6;
	v7 =	vperm.xlane @!p0 v3, v4;
	_ =	sdelay $0x1  }
0x115: {  	v7 =	vadd.s32 @!p0 v6, v7;
	_ =	sdelay $0x2  }
0x116: {  	v5 =	vor.u32 @!p0 $0x8, v5  }
0x117: {  	vm1 =	vmmov @!p0 $0xffff;
	s31 =	simm.s32 @!p0 $0x0;
	s1 =	simm.s32 @!p0 $0xA00;
	v3 =	vperm.xlane @!p0 v3, v5  }
0x118: {  	[tilespmem:s1], [sflag:$0x1] =	stream.indirect_vreg.gather @!p0 [hbm4b:s2+s31], $0x80, v7, vm1, $0xb8;
	[tilespmem:$0x1EA00] =	vst v63  }
0x119: {  	v3 =	vadd.s32 @!p0 v6, v3;
	s1 =	simm.s32 @!p0 $0x1200  }
0x11a: {  	[tilespmem:s1], [sflag:$0x1] =	stream.indirect_vreg.gather @!p0 [hbm4b:s5+s31], $0x80, v7, vm1, $0xb8;
	[tilespmem:$0x1EA00] =	vst v63  }
0x11b: {  	s1 =	simm.s32 @!p0 $0x1A00  }
0x11c: {  	[tilespmem:s1], [sflag:$0x1] =	stream.indirect_vreg.gather @!p0 [hbm4b:s6+s31], $0x80, v7, vm1, $0xb8;
	[tilespmem:$0x1EA00] =	vst v63  }
0x11d: {  	s1 =	simm.s32 @!p0 $0x2200  }
0x11e: {  	[tilespmem:s1], [sflag:$0x1] =	stream.indirect_vreg.gather @!p0 [hbm4b:s2+s31], $0x80, v3, vm1, $0xb8;
	[tilespmem:$0x1EA00] =	vst v63  }
0x11f: {  	s1 =	simm.s32 @!p0 $0x2A00  }
0x120: {  	[tilespmem:s1], [sflag:$0x1] =	stream.indirect_vreg.gather @!p0 [hbm4b:s5+s31], $0x80, v3, vm1, $0xb8;
	[tilespmem:$0x1EA00] =	vst v63  }
0x121: {  	s1 =	simm.s32 @!p0 $0x3200  }
0x122: {  	[tilespmem:s1], [sflag:$0x1] =	stream.indirect_vreg.gather @!p0 [hbm4b:s6+s31], $0x80, v3, vm1, $0xb8;
	[tilespmem:$0x1EA00] =	vst v63  }
0x123: {  	v3 =	vld @!p0 [tilespmem:s29+$0x38];
	_ =	sdelay $0x4  }
0x124: {  	v7 =	vshrl.u32 @!p0 v3, $0x3  }
0x125: {  	v7 =	vmul.u32 @!p0 $0x30, v7  }
0x126: {  	v3 =	vand.u32 @!p0 $0x7, v3  }
0x127: {  	v3 =	vor.u32 @!p0 v3, v7  }
0x128: {  	v7 =	vperm.xlane @!p0 v3, v4;
	_ =	sdelay $0x1  }
0x129: {  	v7 =	vadd.s32 @!p0 v6, v7;
	_ =	sdelay $0x3  }
0x12a: {  	s1 =	simm.s32 @!p0 $0x3A00;
	v3 =	vperm.xlane @!p0 v3, v5  }
0x12b: {  	[tilespmem:s1], [sflag:$0x1] =	stream.indirect_vreg.gather @!p0 [hbm4b:s2+s31], $0x80, v7, vm1, $0xb8;
	[tilespmem:$0x1EA00] =	vst v63  }
0x12c: {  	v3 =	vadd.s32 @!p0 v6, v3;
	s1 =	simm.s32 @!p0 $0x4200  }
0x12d: {  	[tilespmem:s1], [sflag:$0x1] =	stream.indirect_vreg.gather @!p0 [hbm4b:s5+s31], $0x80, v7, vm1, $0xb8;
	[tilespmem:$0x1EA00] =	vst v63  }
0x12e: {  	s1 =	simm.s32 @!p0 $0x4A00  }
0x12f: {  	[tilespmem:s1], [sflag:$0x1] =	stream.indirect_vreg.gather @!p0 [hbm4b:s6+s31], $0x80, v7, vm1, $0xb8;
	[tilespmem:$0x1EA00] =	vst v63  }
0x130: {  	s1 =	simm.s32 @!p0 $0x5200  }
0x131: {  	[tilespmem:s1], [sflag:$0x1] =	stream.indirect_vreg.gather @!p0 [hbm4b:s2+s31], $0x80, v3, vm1, $0xb8;
	[tilespmem:$0x1EA00] =	vst v63  }
0x132: {  	s1 =	simm.s32 @!p0 $0x5A00  }
0x133: {  	[tilespmem:s1], [sflag:$0x1] =	stream.indirect_vreg.gather @!p0 [hbm4b:s5+s31], $0x80, v3, vm1, $0xb8;
	[tilespmem:$0x1EA00] =	vst v63  }
0x134: {  	s1 =	simm.s32 @!p0 $0x6200  }
0x135: {  	[tilespmem:s1], [sflag:$0x1] =	stream.indirect_vreg.gather @!p0 [hbm4b:s6+s31], $0x80, v3, vm1, $0xb8;
	[tilespmem:$0x1EA00] =	vst v63  }
0x136: {  	v3 =	vld.msk @!p0 [tilespmem:s29+$0x48], $0xff;
	_ =	sdelay $0x4  }
0x137: {  	v7 =	vshrl.u32 @!p0 v3, $0x3  }
0x138: {  	v7 =	vmul.u32 @!p0 $0x30, v7  }
0x139: {  	v3 =	vand.u32 @!p0 $0x7, v3  }
0x13a: {  	v3 =	vor.u32 @!p0 v3, v7  }
0x13b: {  	v3 =	vperm.xlane @!p0 v3, v4;
	_ =	sdelay $0x1  }
0x13c: {  	v3 =	vadd.s32 @!p0 v6, v3;
	_ =	sdelay $0x3  }
0x13d: {  	s1 =	simm.s32 @!p0 $0x6A00  }
0x13e: {  	[tilespmem:s1], [sflag:$0x1] =	stream.indirect_vreg.gather @!p0 [hbm4b:s2+s31], $0x80, v3, vm1, $0xb8;
	[tilespmem:$0x1EA00] =	vst v63  }
0x13f: {  	s1 =	simm.s32 @!p0 $0x7200  }
0x140: {  	[tilespmem:s1], [sflag:$0x1] =	stream.indirect_vreg.gather @!p0 [hbm4b:s5+s31], $0x80, v3, vm1, $0xb8;
	[tilespmem:$0x1EA00] =	vst v63  }
0x141: {  	s1 =	simm.s32 @!p0 $0x7A00  }
0x142: {  	[tilespmem:s1], [sflag:$0x1] =	stream.indirect_vreg.gather @!p0 [hbm4b:s6+s31], $0x80, v3, vm1, $0xb8;
	[tilespmem:$0x1EA00] =	vst v63  }
0x143: {  	_ =	swait.ge [sflag:s21], $0x7800  }
0x144: {  	s1 =	rddreg [dreg:$0x4];
	[sflag:s21] =	ssyncset.done $0x0  }
0x145: {  	[sflag:s21] =	ssyncadd.s32 $0xFFFF8800;
	s1 =	sadd.s32 s30, s1  }
0x146: {  	[hbm4b:s1+s3] =	stream.linear.scatter [tilespmem:s16], [sflag:$0x7], $0x7800, $0x38;
	[tilespmem:$0x1EA00] =	vst v63  }
0x147: {  	_ =	swait.ge [sflag:s22], $0x7800  }
0x148: {  	[sflag:s22] =	ssyncset.done $0x0  }
0x149: {  	[sflag:s22] =	ssyncadd.s32 $0xFFFF8800  }
0x14a: {  	v3 =	vld @!p0 [tilespmem:s29+$0x50];
	_ =	sdelay $0x4  }
0x14b: {  	v7 =	vshrl.u32 @!p0 v3, $0x3  }
0x14c: {  	v7 =	vmul.u32 @!p0 $0x30, v7  }
0x14d: {  	v3 =	vand.u32 @!p0 $0x7, v3  }
0x14e: {  	v3 =	vor.u32 @!p0 v3, v7  }
0x14f: {  	v7 =	vperm.xlane @!p0 v3, v4;
	_ =	sdelay $0x1  }
0x150: {  	v7 =	vadd.s32 @!p0 v6, v7;
	_ =	sdelay $0x3  }
0x151: {  	s1 =	simm.s32 @!p0 $0x8200;
	v3 =	vperm.xlane @!p0 v3, v5  }
0x152: {  	[tilespmem:s1], [sflag:$0x2] =	stream.indirect_vreg.gather @!p0 [hbm4b:s2+s31], $0x80, v7, vm1, $0xb8;
	[tilespmem:$0x1EA00] =	vst v63  }
0x153: {  	v3 =	vadd.s32 @!p0 v6, v3;
	s1 =	simm.s32 @!p0 $0x8A00  }
0x154: {  	[tilespmem:s1], [sflag:$0x2] =	stream.indirect_vreg.gather @!p0 [hbm4b:s5+s31], $0x80, v7, vm1, $0xb8;
	[tilespmem:$0x1EA00] =	vst v63  }
0x155: {  	s1 =	simm.s32 @!p0 $0x9200  }
0x156: {  	[tilespmem:s1], [sflag:$0x2] =	stream.indirect_vreg.gather @!p0 [hbm4b:s6+s31], $0x80, v7, vm1, $0xb8;
	[tilespmem:$0x1EA00] =	vst v63  }
0x157: {  	s1 =	simm.s32 @!p0 $0x9A00  }
0x158: {  	[tilespmem:s1], [sflag:$0x2] =	stream.indirect_vreg.gather @!p0 [hbm4b:s2+s31], $0x80, v3, vm1, $0xb8;
	[tilespmem:$0x1EA00] =	vst v63  }
0x159: {  	s1 =	simm.s32 @!p0 $0xA200  }
0x15a: {  	[tilespmem:s1], [sflag:$0x2] =	stream.indirect_vreg.gather @!p0 [hbm4b:s5+s31], $0x80, v3, vm1, $0xb8;
	[tilespmem:$0x1EA00] =	vst v63  }
0x15b: {  	s1 =	simm.s32 @!p0 $0xAA00  }
0x15c: {  	[tilespmem:s1], [sflag:$0x2] =	stream.indirect_vreg.gather @!p0 [hbm4b:s6+s31], $0x80, v3, vm1, $0xb8;
	[tilespmem:$0x1EA00] =	vst v63  }
0x15d: {  	v3 =	vld @!p0 [tilespmem:s29+$0x60];
	_ =	sdelay $0x4  }
0x15e: {  	v7 =	vshrl.u32 @!p0 v3, $0x3  }
0x15f: {  	v7 =	vmul.u32 @!p0 $0x30, v7  }
0x160: {  	v3 =	vand.u32 @!p0 $0x7, v3  }
0x161: {  	v3 =	vor.u32 @!p0 v3, v7  }
0x162: {  	v7 =	vperm.xlane @!p0 v3, v4;
	_ =	sdelay $0x1  }
0x163: {  	v7 =	vadd.s32 @!p0 v6, v7;
	_ =	sdelay $0x3  }
0x164: {  	s1 =	simm.s32 @!p0 $0xB200;
	v3 =	vperm.xlane @!p0 v3, v5  }
0x165: {  	[tilespmem:s1], [sflag:$0x2] =	stream.indirect_vreg.gather @!p0 [hbm4b:s2+s31], $0x80, v7, vm1, $0xb8;
	[tilespmem:$0x1EA00] =	vst v63  }
0x166: {  	v3 =	vadd.s32 @!p0 v6, v3;
	s1 =	simm.s32 @!p0 $0xBA00  }
0x167: {  	[tilespmem:s1], [sflag:$0x2] =	stream.indirect_vreg.gather @!p0 [hbm4b:s5+s31], $0x80, v7, vm1, $0xb8;
	[tilespmem:$0x1EA00] =	vst v63  }
0x168: {  	s1 =	simm.s32 @!p0 $0xC200  }
0x169: {  	[tilespmem:s1], [sflag:$0x2] =	stream.indirect_vreg.gather @!p0 [hbm4b:s6+s31], $0x80, v7, vm1, $0xb8;
	[tilespmem:$0x1EA00] =	vst v63  }
0x16a: {  	s1 =	simm.s32 @!p0 $0xCA00  }
0x16b: {  	[tilespmem:s1], [sflag:$0x2] =	stream.indirect_vreg.gather @!p0 [hbm4b:s2+s31], $0x80, v3, vm1, $0xb8;
	[tilespmem:$0x1EA00] =	vst v63  }
0x16c: {  	s1 =	simm.s32 @!p0 $0xD200  }
0x16d: {  	[tilespmem:s1], [sflag:$0x2] =	stream.indirect_vreg.gather @!p0 [hbm4b:s5+s31], $0x80, v3, vm1, $0xb8;
	[tilespmem:$0x1EA00] =	vst v63  }
0x16e: {  	s1 =	simm.s32 @!p0 $0xDA00  }
0x16f: {  	[tilespmem:s1], [sflag:$0x2] =	stream.indirect_vreg.gather @!p0 [hbm4b:s6+s31], $0x80, v3, vm1, $0xb8;
	[tilespmem:$0x1EA00] =	vst v63  }
0x170: {  	v3 =	vld.msk @!p0 [tilespmem:s29+$0x70], $0xff;
	_ =	sdelay $0x4  }
0x171: {  	v5 =	vshrl.u32 @!p0 v3, $0x3  }
0x172: {  	v5 =	vmul.u32 @!p0 $0x30, v5  }
0x173: {  	v3 =	vand.u32 @!p0 $0x7, v3  }
0x174: {  	v3 =	vor.u32 @!p0 v3, v5  }
0x175: {  	v3 =	vperm.xlane @!p0 v3, v4;
	_ =	sdelay $0x1  }
0x176: {  	v3 =	vadd.s32 @!p0 v6, v3;
	_ =	sdelay $0x3  }
0x177: {  	s1 =	simm.s32 @!p0 $0xE200  }
0x178: {  	[tilespmem:s1], [sflag:$0x2] =	stream.indirect_vreg.gather @!p0 [hbm4b:s2+s31], $0x80, v3, vm1, $0xb8;
	[tilespmem:$0x1EA00] =	vst v63  }
0x179: {  	s1 =	simm.s32 @!p0 $0xEA00  }
0x17a: {  	[tilespmem:s1], [sflag:$0x2] =	stream.indirect_vreg.gather @!p0 [hbm4b:s5+s31], $0x80, v3, vm1, $0xb8;
	[tilespmem:$0x1EA00] =	vst v63  }
0x17b: {  	s1 =	simm.s32 @!p0 $0xF200  }
0x17c: {  	[tilespmem:s1], [sflag:$0x2] =	stream.indirect_vreg.gather @!p0 [hbm4b:s6+s31], $0x80, v3, vm1, $0xb8;
	[tilespmem:$0x1EA00] =	vst v63  }
0x17d: {  	_ =	swait.ge [sflag:s23], $0x7800  }
0x17e: {  	s31 =	rddreg [dreg:$0x5]  }
0x17f: {  	s1 =	sadd.s32 s30, s31;
	s30 =	sadd.s32 $0x3C00, s30  }
0x180: {  	p0 =	sne.s32 s30, $0x3C000  }
.Ltmp0:
0x181: {  	_ = 	snop;
	(pc) =	sbr.rel @p0 .LBB2_2-.Ltmp0, $4  }
0x182: {  	_ = 	snop  }
0x183: {  	[sflag:s23] =	ssyncset.done $0x0  }
0x184: {  	s29 =	sadd.s32 $0xA0, s29;
	[sflag:s23] =	ssyncadd.s32 $0xFFFF8800  }
0x185: {  	[hbm4b:s1+s3] =	stream.linear.scatter [tilespmem:s18], [sflag:$0x8], $0x7800, $0x38;
	[tilespmem:$0x1EA00] =	vst v63  }
0x186: {  	s28 =	sadd.s32 $0x1, s28  }
0x187: {  	_ =	swait.ge [sflag:s25], $0x7800;
	p0 =	sne.s32 s28, s7  }
.Ltmp1:
0x188: {  	[sflag:s25] =	ssyncset.done $0x0;
	(pc) =	sbr.rel @p0 .LBB2_1-.Ltmp1, $4  }
0x189: {  	[sflag:s25] =	ssyncadd.s32 $0xFFFF8800  }
0x18a: {  	_ =	swait.ge [sflag:s26], $0x7800  }
0x18b: {  	[sflag:s26] =	ssyncset.done $0x0  }
0x18c: {  	[sflag:s26] =	ssyncadd.s32 $0xFFFF8800  }
0x18d: {  	_ =	sfence.sel $0x180000  }
0x18e: {  	[bflag:$0x0] =	sbarrier.arrive $0xFFFF  }
0x18f: {  	_ =	strace $0x90000047  }
0x190: {  	s0 =	stileid.u32;
	[bflag:$0x2] =	sbarrier.arrive $0xFFFF  }
0x191: {  	p0 =	sne.s32 s0, $0x0;
	s0 =	rddreg [dreg:$0x3]  }
0x192: {  	s0 =	sadd.s32 @!p0 $0x100000, s0  }
0x193: {  	[sflag:s0] =	ssyncadd.tile.s32 @!p0 $0x1;
	_ =	shalt  }
.Lfunc_end2:
_tile_overlayer_lowered:
.L_overlay_start_2:
0x194: {  	(tag) =	ssettag $0x2  }
0x195: {  	s0 =	rddreg [dreg:$0x0];
	s2 =	stileid.u32  }
0x196: {  	s1 =	rddreg [dreg:$0x1];
	p0 =	sne.s32 s2, $0x0  }
0x197: {  	s3 =	rddreg [dreg:$0x2];
	[bflag:$0x3] =	sbarrier.arrive $0xFFFF;
	s2 =	simm.s32 @!p0 $0x1C09  }
0x198: {  	[timem:s3], [sflag:s2] =	dma.local @!p0 [hbm:s0], s1  }
0x199: {  	s0 =	simm.s32 @!p0 $0x9  }
0x19a: {  	_ =	swait.ge @!p0 [sflag:s0], s1  }
0x19b: {  	s1 =	ssub.s32 @!p0 $0x0, s1;
	[sflag:s0] =	ssyncset.done @!p0 $0x0  }
0x19c: {  	[sflag:s0] =	ssyncadd.s32 @!p0 s1  }
0x19d: {  	[bflag:$0x3] =	sbarrier.arrive $0xFFFF  }
0x19e: {  	_ =	shalt  }

</sc_bundles>
